<compile_context>
chip_gen: v7x
topology: tpu7x:2x2x1
jax: 0.10.2.dev20260603
libtpu: 0.0.44.dev20260713+nightly
codegen_flags: <defaults>
</compile_context>

<pallas_src>
import functools

import jax
import jax.numpy as jnp
from jax import lax
from jax.experimental import pallas as pl
from jax.experimental.pallas import tpu as pltpu
from jax.experimental.pallas import tpu_sc as plsc

NUM_NODES = 1000000
EMB = 64
BATCH = 16384

_NC = 2
_NS = 16
_NW = _NC * _NS
_BPW = BATCH // _NW
_NBUF = 8


def _make_lookup():
  mesh = plsc.VectorSubcoreMesh(core_axis_name="c", subcore_axis_name="s")

  @functools.partial(
      pl.kernel,
      mesh=mesh,
      out_type=jax.ShapeDtypeStruct((EMB, BATCH), jnp.float32),
      compiler_params=pltpu.CompilerParams(
          use_tc_tiling_on_sc=True, needs_layout_passes=False),
      scratch_types=[
          pltpu.VMEM((_BPW,), jnp.int32),
          pltpu.VMEM((EMB, 128), jnp.float32),
          pltpu.VMEM((EMB, 128), jnp.float32),
          pltpu.VMEM((EMB, 128), jnp.float32),
          pltpu.VMEM((EMB, 128), jnp.float32),
          pltpu.VMEM((EMB, 128), jnp.float32),
          pltpu.VMEM((EMB, 128), jnp.float32),
          pltpu.VMEM((EMB, 128), jnp.float32),
          pltpu.VMEM((EMB, 128), jnp.float32),
          pltpu.VMEM((EMB, _BPW), jnp.float32),
          pltpu.SemaphoreType.DMA((_NBUF,)),
      ],
  )
  def emb_lookup(idx_hbm, tbl_hbm, out_hbm, idx_v, s0, s1, s2, s3, s4, s5,
                 s6, s7, out_v, sems):
    slabs = [s0, s1, s2, s3, s4, s5, s6, s7]
    wid = lax.axis_index("s") * _NC + lax.axis_index("c")
    base = wid * _BPW
    pltpu.sync_copy(idx_hbm.at[pl.ds(base, _BPW)], idx_v)

    iota = lax.iota(jnp.int32, 16)
    row_idx = [16 * k + iota for k in range(4)]

    def get_idx(j):
      grp = pl.multiple_of((j >> 4) << 4, 16)
      v = idx_v[pl.ds(grp, 16)]
      return jnp.sum(jnp.where(iota == (j & 15), v, 0))

    def issue(j, b):
      i = get_idx(j)
      n = pl.multiple_of((i >> 7) << 7, 128)
      pltpu.async_copy(tbl_hbm.at[:, pl.ds(n, 128)], slabs[b], sems.at[b])

    def wait(j, b):
      pltpu.make_async_copy(
          tbl_hbm.at[:, pl.ds(0, 128)], slabs[b], sems.at[b]).wait()

    def extract(j, b):
      i = get_idx(j)
      lane = jnp.full((16,), i & 127, jnp.int32)
      col = jnp.full((16,), j, jnp.int32)
      for k in range(4):
        v = plsc.load_gather(slabs[b], [row_idx[k], lane])
        plsc.store_scatter(out_v, [row_idx[k], col], v)

    for b in range(_NBUF):
      issue(b, b)

    def body(t, _):
      for b in range(_NBUF):
        j = t * _NBUF + b
        wait(j, b)
        extract(j, b)
        nxt = j + _NBUF

        @pl.when(nxt < _BPW)
        def _():
          issue(nxt, b)

      return ()

    lax.fori_loop(0, _BPW // _NBUF, body, (), unroll=False)
    pltpu.sync_copy(out_v, out_hbm.at[:, pl.ds(base, _BPW)])

  return emb_lookup


_emb_lookup = _make_lookup()


def kernel(idx, emb_weight):
  out_t = _emb_lookup(idx.astype(jnp.int32), emb_weight.T)
  return out_t.T

# --- scband reference (transcript-rebuilt; emitter-appended) ---
"""Pipeline reference for scband-dist-emb-31842887533126 (READ-ONLY COPY).

The authoritative reference and input builder live on the scoring server;
editing this copy changes nothing except your own understanding.
"""

import jax, jax.numpy as jnp
import numpy as np

NUM_NODES = 1000000
EMB_SIZE = 64
BATCH = 16384

def setup_inputs(seed: int = 0) -> dict:
    key = jax.random.key(seed)
    k_idx, k_tab = jax.random.split(key)
    idx = jax.random.randint(k_idx, (BATCH,), 0, NUM_NODES, dtype=jnp.int64 if jax.config.jax_enable_x64 else jnp.int32)
    # nn.Embedding weight initialized uniform(-1, 1)
    emb_weight = jax.random.uniform(k_tab, (NUM_NODES, EMB_SIZE), dtype=jnp.float32, minval=-1.0, maxval=1.0)
    return {"idx": idx, "emb_weight": emb_weight}

def reference(idx, emb_weight):
    # DistEmb.forward with dgl_sparse_emb=False: plain embedding lookup
    return jnp.take(emb_weight, idx, axis=0)

if __name__ == "__main__":
    import jax
    _d = setup_inputs()
    print(jax.jit(kernel)(*tuple(_d.values())))

</pallas_src>

<mosaic_0001>
#map = affine_map<(d0, d1) -> (0)>
#map1 = affine_map<(d0, d1) -> (0, 0)>
module attributes {stable_mosaic.version = 14 : i64} {
  func.func @emb_lookup(%arg0: i32, %arg1: i32, %arg2: memref<16384xi32, #tpu.memory_space<hbm>>, %arg3: memref<64x1000000xf32, #tpu.memory_space<hbm>>, %arg4: memref<64x16384xf32, #tpu.memory_space<hbm>>, %arg5: memref<512xi32, #tpu.memory_space<vmem>>, %arg6: memref<64x128xf32, #tpu.memory_space<vmem>>, %arg7: memref<64x128xf32, #tpu.memory_space<vmem>>, %arg8: memref<64x128xf32, #tpu.memory_space<vmem>>, %arg9: memref<64x128xf32, #tpu.memory_space<vmem>>, %arg10: memref<64x128xf32, #tpu.memory_space<vmem>>, %arg11: memref<64x128xf32, #tpu.memory_space<vmem>>, %arg12: memref<64x128xf32, #tpu.memory_space<vmem>>, %arg13: memref<64x128xf32, #tpu.memory_space<vmem>>, %arg14: memref<64x512xf32, #tpu.memory_space<vmem>>, %arg15: memref<8x!tpu.dma_semaphore, #tpu.memory_space<semaphore_mem>>) attributes {dimension_semantics = [#tpu.dimension_semantics<core_parallel>, #tpu.dimension_semantics<subcore_parallel>], iteration_bounds = array<i64: 2, 16>, scalar_prefetch = 0 : i64, scratch_operands = 11 : i64, tpu.core_type = #tpu.core_type<sc_vector_subcore>, window_params = [{transform_indices = #map}, {transform_indices = #map1}, {transform_indices = #map1}]} {
    %mul3A = arith.constant 2 : i32
    %mul3A_0 = arith.muli %arg1, %mul3A : i32
    %add3A = arith.addi %mul3A_0, %arg0 : i32
    %mul3A_1 = arith.constant 512 : i32
    %mul3A_2 = arith.muli %add3A, %mul3A_1 : i32
    "tpu.region"() ({
      %run_scoped3A = tpu.sem_alloc : memref<!tpu.dma_semaphore, #tpu.memory_space<semaphore_mem>>
      %dma_start3A_217 = tpu.memref_slice %arg2[%mul3A_2] : memref<16384xi32, #tpu.memory_space<hbm>> -> memref<512xi32, #tpu.memory_space<hbm>>
      %dma_start3A_218 = tpu.memref_slice %arg2[%mul3A_2] : memref<16384xi32, #tpu.memory_space<hbm>> -> memref<512xi32, #tpu.memory_space<hbm>>
      tpu.enqueue_dma source(%dma_start3A_218 : memref<512xi32, #tpu.memory_space<hbm>>) target(%arg5 : memref<512xi32, #tpu.memory_space<vmem>>) target_semaphore(%run_scoped3A : memref<!tpu.dma_semaphore, #tpu.memory_space<semaphore_mem>>)
      %dma_wait3A = tpu.memref_slice %arg2[%mul3A_2] : memref<16384xi32, #tpu.memory_space<hbm>> -> memref<512xi32, #tpu.memory_space<hbm>>
      %dma_wait3A_219 = tpu.memref_slice %arg2[%mul3A_2] : memref<16384xi32, #tpu.memory_space<hbm>> -> memref<512xi32, #tpu.memory_space<hbm>>
      tpu.wait_dma2 semaphore(%run_scoped3A : memref<!tpu.dma_semaphore, #tpu.memory_space<semaphore_mem>>) src(%dma_wait3A_219 : memref<512xi32, #tpu.memory_space<hbm>>) dst(%arg5 : memref<512xi32, #tpu.memory_space<vmem>>)
      tpu.yield
    }) : () -> ()
    %iota3A = tpu.iota {dimensions = array<i32: 0>} : vector<16xi32>
    %add3A_3 = arith.constant 0 : i32
    %add3A_4 = vector.broadcast %add3A_3 : i32 to vector<16xi32>
    %add3A_5 = arith.addi %add3A_4, %iota3A : vector<16xi32>
    %add3A_6 = arith.constant 16 : i32
    %add3A_7 = vector.broadcast %add3A_6 : i32 to vector<16xi32>
    %add3A_8 = arith.addi %add3A_7, %iota3A : vector<16xi32>
    %add3A_9 = arith.constant 32 : i32
    %add3A_10 = vector.broadcast %add3A_9 : i32 to vector<16xi32>
    %add3A_11 = arith.addi %add3A_10, %iota3A : vector<16xi32>
    %add3A_12 = arith.constant 48 : i32
    %add3A_13 = vector.broadcast %add3A_12 : i32 to vector<16xi32>
    %add3A_14 = arith.addi %add3A_13, %iota3A : vector<16xi32>
    %multiple_of3A = arith.constant 0 : i32
    %multiple_of3A_15 = tpu.assume_multiple %multiple_of3A, 16 : i32
    %get3A = arith.index_cast %multiple_of3A_15 : i32 to index
    %get3A_16 = tpu.vector_load %arg5[%get3A] {strides = array<i32>} : memref<512xi32, #tpu.memory_space<vmem>>, vector<16xi32>,
    %eq3A = arith.constant 0 : i32
    %eq3A_17 = vector.broadcast %eq3A : i32 to vector<16xi32>
    %eq3A_18 = arith.cmpi eq, %iota3A, %eq3A_17 : vector<16xi32>
    %jit3A = arith.constant 0 : i32
    %broadcast_in_dim3A = vector.broadcast %jit3A : i32 to vector<16xi32>
    %select_n3A = arith.select %eq3A_18, %get3A_16, %broadcast_in_dim3A : vector<16xi1>, vector<16xi32>
    %reduce_sum3A = arith.constant true
    %reduce_sum3A_19 = vector.broadcast %reduce_sum3A : i1 to vector<16xi1>
    %reduce_sum3A_20 = tpu.scan <sum>, %select_n3A masked %reduce_sum3A_19 : vector<16xi32>, vector<16xi1> -> vector<16xi32>
    %reduce_sum3A_21 = vector.extract %reduce_sum3A_20[15] : i32 from vector<16xi32>
    %shift_right_arithmetic3A = arith.constant 7 : i32
    %shift_right_arithmetic3A_22 = arith.shrsi %reduce_sum3A_21, %shift_right_arithmetic3A : i32
    %shift_left3A = arith.constant 7 : i32
    %shift_left3A_23 = arith.shli %shift_right_arithmetic3A_22, %shift_left3A : i32
    %multiple_of3A_24 = tpu.assume_multiple %shift_left3A_23, 128 : i32
    %dma_start3A = arith.constant 0 : i32
    %dma_start3A_25 = arith.constant 0 : i32
    %dma_start3A_26 = tpu.memref_slice %arg3[%dma_start3A_25, %multiple_of3A_24] : memref<64x1000000xf32, #tpu.memory_space<hbm>> -> memref<64x128xf32, #tpu.memory_space<hbm>>
    %dma_start3A_27 = tpu.memref_slice %arg15[%dma_start3A] : memref<8x!tpu.dma_semaphore, #tpu.memory_space<semaphore_mem>> -> memref<1x!tpu.dma_semaphore, #tpu.memory_space<semaphore_mem>>
    %dma_start3A_28 = tpu.memref_squeeze %dma_start3A_27 : memref<1x!tpu.dma_semaphore, #tpu.memory_space<semaphore_mem>> -> memref<!tpu.dma_semaphore, #tpu.memory_space<semaphore_mem>>
    %dma_start3A_29 = arith.constant 0 : i32
    %dma_start3A_30 = tpu.memref_slice %arg3[%dma_start3A_29, %multiple_of3A_24] : memref<64x1000000xf32, #tpu.memory_space<hbm>> -> memref<64x128xf32, #tpu.memory_space<hbm>>
    tpu.enqueue_dma source(%dma_start3A_30 : memref<64x128xf32, #tpu.memory_space<hbm>>) target(%arg6 : memref<64x128xf32, #tpu.memory_space<vmem>>) target_semaphore(%dma_start3A_28 : memref<!tpu.dma_semaphore, #tpu.memory_space<semaphore_mem>>)
    %multiple_of3A_31 = arith.constant 0 : i32
    %multiple_of3A_32 = tpu.assume_multiple %multiple_of3A_31, 16 : i32
    %get3A_33 = arith.index_cast %multiple_of3A_32 : i32 to index
    %get3A_34 = tpu.vector_load %arg5[%get3A_33] {strides = array<i32>} : memref<512xi32, #tpu.memory_space<vmem>>, vector<16xi32>,
    %eq3A_35 = arith.constant 1 : i32
    %eq3A_36 = vector.broadcast %eq3A_35 : i32 to vector<16xi32>
    %eq3A_37 = arith.cmpi eq, %iota3A, %eq3A_36 : vector<16xi32>
    %jit3A_38 = arith.constant 0 : i32
    %broadcast_in_dim3A_39 = vector.broadcast %jit3A_38 : i32 to vector<16xi32>
    %select_n3A_40 = arith.select %eq3A_37, %get3A_34, %broadcast_in_dim3A_39 : vector<16xi1>, vector<16xi32>
    %reduce_sum3A_41 = arith.constant true
    %reduce_sum3A_42 = vector.broadcast %reduce_sum3A_41 : i1 to vector<16xi1>
    %reduce_sum3A_43 = tpu.scan <sum>, %select_n3A_40 masked %reduce_sum3A_42 : vector<16xi32>, vector<16xi1> -> vector<16xi32>
    %reduce_sum3A_44 = vector.extract %reduce_sum3A_43[15] : i32 from vector<16xi32>
    %shift_right_arithmetic3A_45 = arith.constant 7 : i32
    %shift_right_arithmetic3A_46 = arith.shrsi %reduce_sum3A_44, %shift_right_arithmetic3A_45 : i32
    %shift_left3A_47 = arith.constant 7 : i32
    %shift_left3A_48 = arith.shli %shift_right_arithmetic3A_46, %shift_left3A_47 : i32
    %multiple_of3A_49 = tpu.assume_multiple %shift_left3A_48, 128 : i32
    %dma_start3A_50 = arith.constant 1 : i32
    %dma_start3A_51 = arith.constant 0 : i32
    %dma_start3A_52 = tpu.memref_slice %arg3[%dma_start3A_51, %multiple_of3A_49] : memref<64x1000000xf32, #tpu.memory_space<hbm>> -> memref<64x128xf32, #tpu.memory_space<hbm>>
    %dma_start3A_53 = tpu.memref_slice %arg15[%dma_start3A_50] : memref<8x!tpu.dma_semaphore, #tpu.memory_space<semaphore_mem>> -> memref<1x!tpu.dma_semaphore, #tpu.memory_space<semaphore_mem>>
    %dma_start3A_54 = tpu.memref_squeeze %dma_start3A_53 : memref<1x!tpu.dma_semaphore, #tpu.memory_space<semaphore_mem>> -> memref<!tpu.dma_semaphore, #tpu.memory_space<semaphore_mem>>
    %dma_start3A_55 = arith.constant 0 : i32
    %dma_start3A_56 = tpu.memref_slice %arg3[%dma_start3A_55, %multiple_of3A_49] : memref<64x1000000xf32, #tpu.memory_space<hbm>> -> memref<64x128xf32, #tpu.memory_space<hbm>>
    tpu.enqueue_dma source(%dma_start3A_56 : memref<64x128xf32, #tpu.memory_space<hbm>>) target(%arg7 : memref<64x128xf32, #tpu.memory_space<vmem>>) target_semaphore(%dma_start3A_54 : memref<!tpu.dma_semaphore, #tpu.memory_space<semaphore_mem>>)
    %multiple_of3A_57 = arith.constant 0 : i32
    %multiple_of3A_58 = tpu.assume_multiple %multiple_of3A_57, 16 : i32
    %get3A_59 = arith.index_cast %multiple_of3A_58 : i32 to index
    %get3A_60 = tpu.vector_load %arg5[%get3A_59] {strides = array<i32>} : memref<512xi32, #tpu.memory_space<vmem>>, vector<16xi32>,
    %eq3A_61 = arith.constant 2 : i32
    %eq3A_62 = vector.broadcast %eq3A_61 : i32 to vector<16xi32>
    %eq3A_63 = arith.cmpi eq, %iota3A, %eq3A_62 : vector<16xi32>
    %jit3A_64 = arith.constant 0 : i32
    %broadcast_in_dim3A_65 = vector.broadcast %jit3A_64 : i32 to vector<16xi32>
    %select_n3A_66 = arith.select %eq3A_63, %get3A_60, %broadcast_in_dim3A_65 : vector<16xi1>, vector<16xi32>
    %reduce_sum3A_67 = arith.constant true
    %reduce_sum3A_68 = vector.broadcast %reduce_sum3A_67 : i1 to vector<16xi1>
    %reduce_sum3A_69 = tpu.scan <sum>, %select_n3A_66 masked %reduce_sum3A_68 : vector<16xi32>, vector<16xi1> -> vector<16xi32>
    %reduce_sum3A_70 = vector.extract %reduce_sum3A_69[15] : i32 from vector<16xi32>
    %shift_right_arithmetic3A_71 = arith.constant 7 : i32
    %shift_right_arithmetic3A_72 = arith.shrsi %reduce_sum3A_70, %shift_right_arithmetic3A_71 : i32
    %shift_left3A_73 = arith.constant 7 : i32
    %shift_left3A_74 = arith.shli %shift_right_arithmetic3A_72, %shift_left3A_73 : i32
    %multiple_of3A_75 = tpu.assume_multiple %shift_left3A_74, 128 : i32
    %dma_start3A_76 = arith.constant 2 : i32
    %dma_start3A_77 = arith.constant 0 : i32
    %dma_start3A_78 = tpu.memref_slice %arg3[%dma_start3A_77, %multiple_of3A_75] : memref<64x1000000xf32, #tpu.memory_space<hbm>> -> memref<64x128xf32, #tpu.memory_space<hbm>>
    %dma_start3A_79 = tpu.memref_slice %arg15[%dma_start3A_76] : memref<8x!tpu.dma_semaphore, #tpu.memory_space<semaphore_mem>> -> memref<1x!tpu.dma_semaphore, #tpu.memory_space<semaphore_mem>>
    %dma_start3A_80 = tpu.memref_squeeze %dma_start3A_79 : memref<1x!tpu.dma_semaphore, #tpu.memory_space<semaphore_mem>> -> memref<!tpu.dma_semaphore, #tpu.memory_space<semaphore_mem>>
    %dma_start3A_81 = arith.constant 0 : i32
    %dma_start3A_82 = tpu.memref_slice %arg3[%dma_start3A_81, %multiple_of3A_75] : memref<64x1000000xf32, #tpu.memory_space<hbm>> -> memref<64x128xf32, #tpu.memory_space<hbm>>
    tpu.enqueue_dma source(%dma_start3A_82 : memref<64x128xf32, #tpu.memory_space<hbm>>) target(%arg8 : memref<64x128xf32, #tpu.memory_space<vmem>>) target_semaphore(%dma_start3A_80 : memref<!tpu.dma_semaphore, #tpu.memory_space<semaphore_mem>>)
    %multiple_of3A_83 = arith.constant 0 : i32
    %multiple_of3A_84 = tpu.assume_multiple %multiple_of3A_83, 16 : i32
    %get3A_85 = arith.index_cast %multiple_of3A_84 : i32 to index
    %get3A_86 = tpu.vector_load %arg5[%get3A_85] {strides = array<i32>} : memref<512xi32, #tpu.memory_space<vmem>>, vector<16xi32>,
    %eq3A_87 = arith.constant 3 : i32
    %eq3A_88 = vector.broadcast %eq3A_87 : i32 to vector<16xi32>
    %eq3A_89 = arith.cmpi eq, %iota3A, %eq3A_88 : vector<16xi32>
    %jit3A_90 = arith.constant 0 : i32
    %broadcast_in_dim3A_91 = vector.broadcast %jit3A_90 : i32 to vector<16xi32>
    %select_n3A_92 = arith.select %eq3A_89, %get3A_86, %broadcast_in_dim3A_91 : vector<16xi1>, vector<16xi32>
    %reduce_sum3A_93 = arith.constant true
    %reduce_sum3A_94 = vector.broadcast %reduce_sum3A_93 : i1 to vector<16xi1>
    %reduce_sum3A_95 = tpu.scan <sum>, %select_n3A_92 masked %reduce_sum3A_94 : vector<16xi32>, vector<16xi1> -> vector<16xi32>
    %reduce_sum3A_96 = vector.extract %reduce_sum3A_95[15] : i32 from vector<16xi32>
    %shift_right_arithmetic3A_97 = arith.constant 7 : i32
    %shift_right_arithmetic3A_98 = arith.shrsi %reduce_sum3A_96, %shift_right_arithmetic3A_97 : i32
    %shift_left3A_99 = arith.constant 7 : i32
    %shift_left3A_100 = arith.shli %shift_right_arithmetic3A_98, %shift_left3A_99 : i32
    %multiple_of3A_101 = tpu.assume_multiple %shift_left3A_100, 128 : i32
    %dma_start3A_102 = arith.constant 3 : i32
    %dma_start3A_103 = arith.constant 0 : i32
    %dma_start3A_104 = tpu.memref_slice %arg3[%dma_start3A_103, %multiple_of3A_101] : memref<64x1000000xf32, #tpu.memory_space<hbm>> -> memref<64x128xf32, #tpu.memory_space<hbm>>
    %dma_start3A_105 = tpu.memref_slice %arg15[%dma_start3A_102] : memref<8x!tpu.dma_semaphore, #tpu.memory_space<semaphore_mem>> -> memref<1x!tpu.dma_semaphore, #tpu.memory_space<semaphore_mem>>
    %dma_start3A_106 = tpu.memref_squeeze %dma_start3A_105 : memref<1x!tpu.dma_semaphore, #tpu.memory_space<semaphore_mem>> -> memref<!tpu.dma_semaphore, #tpu.memory_space<semaphore_mem>>
    %dma_start3A_107 = arith.constant 0 : i32
    %dma_start3A_108 = tpu.memref_slice %arg3[%dma_start3A_107, %multiple_of3A_101] : memref<64x1000000xf32, #tpu.memory_space<hbm>> -> memref<64x128xf32, #tpu.memory_space<hbm>>
    tpu.enqueue_dma source(%dma_start3A_108 : memref<64x128xf32, #tpu.memory_space<hbm>>) target(%arg9 : memref<64x128xf32, #tpu.memory_space<vmem>>) target_semaphore(%dma_start3A_106 : memref<!tpu.dma_semaphore, #tpu.memory_space<semaphore_mem>>)
    %multiple_of3A_109 = arith.constant 0 : i32
    %multiple_of3A_110 = tpu.assume_multiple %multiple_of3A_109, 16 : i32
    %get3A_111 = arith.index_cast %multiple_of3A_110 : i32 to index
    %get3A_112 = tpu.vector_load %arg5[%get3A_111] {strides = array<i32>} : memref<512xi32, #tpu.memory_space<vmem>>, vector<16xi32>,
    %eq3A_113 = arith.constant 4 : i32
    %eq3A_114 = vector.broadcast %eq3A_113 : i32 to vector<16xi32>
    %eq3A_115 = arith.cmpi eq, %iota3A, %eq3A_114 : vector<16xi32>
    %jit3A_116 = arith.constant 0 : i32
    %broadcast_in_dim3A_117 = vector.broadcast %jit3A_116 : i32 to vector<16xi32>
    %select_n3A_118 = arith.select %eq3A_115, %get3A_112, %broadcast_in_dim3A_117 : vector<16xi1>, vector<16xi32>
    %reduce_sum3A_119 = arith.constant true
    %reduce_sum3A_120 = vector.broadcast %reduce_sum3A_119 : i1 to vector<16xi1>
    %reduce_sum3A_121 = tpu.scan <sum>, %select_n3A_118 masked %reduce_sum3A_120 : vector<16xi32>, vector<16xi1> -> vector<16xi32>
    %reduce_sum3A_122 = vector.extract %reduce_sum3A_121[15] : i32 from vector<16xi32>
    %shift_right_arithmetic3A_123 = arith.constant 7 : i32
    %shift_right_arithmetic3A_124 = arith.shrsi %reduce_sum3A_122, %shift_right_arithmetic3A_123 : i32
    %shift_left3A_125 = arith.constant 7 : i32
    %shift_left3A_126 = arith.shli %shift_right_arithmetic3A_124, %shift_left3A_125 : i32
    %multiple_of3A_127 = tpu.assume_multiple %shift_left3A_126, 128 : i32
    %dma_start3A_128 = arith.constant 4 : i32
    %dma_start3A_129 = arith.constant 0 : i32
    %dma_start3A_130 = tpu.memref_slice %arg3[%dma_start3A_129, %multiple_of3A_127] : memref<64x1000000xf32, #tpu.memory_space<hbm>> -> memref<64x128xf32, #tpu.memory_space<hbm>>
    %dma_start3A_131 = tpu.memref_slice %arg15[%dma_start3A_128] : memref<8x!tpu.dma_semaphore, #tpu.memory_space<semaphore_mem>> -> memref<1x!tpu.dma_semaphore, #tpu.memory_space<semaphore_mem>>
    %dma_start3A_132 = tpu.memref_squeeze %dma_start3A_131 : memref<1x!tpu.dma_semaphore, #tpu.memory_space<semaphore_mem>> -> memref<!tpu.dma_semaphore, #tpu.memory_space<semaphore_mem>>
    %dma_start3A_133 = arith.constant 0 : i32
    %dma_start3A_134 = tpu.memref_slice %arg3[%dma_start3A_133, %multiple_of3A_127] : memref<64x1000000xf32, #tpu.memory_space<hbm>> -> memref<64x128xf32, #tpu.memory_space<hbm>>
    tpu.enqueue_dma source(%dma_start3A_134 : memref<64x128xf32, #tpu.memory_space<hbm>>) target(%arg10 : memref<64x128xf32, #tpu.memory_space<vmem>>) target_semaphore(%dma_start3A_132 : memref<!tpu.dma_semaphore, #tpu.memory_space<semaphore_mem>>)
    %multiple_of3A_135 = arith.constant 0 : i32
    %multiple_of3A_136 = tpu.assume_multiple %multiple_of3A_135, 16 : i32
    %get3A_137 = arith.index_cast %multiple_of3A_136 : i32 to index
    %get3A_138 = tpu.vector_load %arg5[%get3A_137] {strides = array<i32>} : memref<512xi32, #tpu.memory_space<vmem>>, vector<16xi32>,
    %eq3A_139 = arith.constant 5 : i32
    %eq3A_140 = vector.broadcast %eq3A_139 : i32 to vector<16xi32>
    %eq3A_141 = arith.cmpi eq, %iota3A, %eq3A_140 : vector<16xi32>
    %jit3A_142 = arith.constant 0 : i32
    %broadcast_in_dim3A_143 = vector.broadcast %jit3A_142 : i32 to vector<16xi32>
    %select_n3A_144 = arith.select %eq3A_141, %get3A_138, %broadcast_in_dim3A_143 : vector<16xi1>, vector<16xi32>
    %reduce_sum3A_145 = arith.constant true
    %reduce_sum3A_146 = vector.broadcast %reduce_sum3A_145 : i1 to vector<16xi1>
    %reduce_sum3A_147 = tpu.scan <sum>, %select_n3A_144 masked %reduce_sum3A_146 : vector<16xi32>, vector<16xi1> -> vector<16xi32>
    %reduce_sum3A_148 = vector.extract %reduce_sum3A_147[15] : i32 from vector<16xi32>
    %shift_right_arithmetic3A_149 = arith.constant 7 : i32
    %shift_right_arithmetic3A_150 = arith.shrsi %reduce_sum3A_148, %shift_right_arithmetic3A_149 : i32
    %shift_left3A_151 = arith.constant 7 : i32
    %shift_left3A_152 = arith.shli %shift_right_arithmetic3A_150, %shift_left3A_151 : i32
    %multiple_of3A_153 = tpu.assume_multiple %shift_left3A_152, 128 : i32
    %dma_start3A_154 = arith.constant 5 : i32
    %dma_start3A_155 = arith.constant 0 : i32
    %dma_start3A_156 = tpu.memref_slice %arg3[%dma_start3A_155, %multiple_of3A_153] : memref<64x1000000xf32, #tpu.memory_space<hbm>> -> memref<64x128xf32, #tpu.memory_space<hbm>>
    %dma_start3A_157 = tpu.memref_slice %arg15[%dma_start3A_154] : memref<8x!tpu.dma_semaphore, #tpu.memory_space<semaphore_mem>> -> memref<1x!tpu.dma_semaphore, #tpu.memory_space<semaphore_mem>>
    %dma_start3A_158 = tpu.memref_squeeze %dma_start3A_157 : memref<1x!tpu.dma_semaphore, #tpu.memory_space<semaphore_mem>> -> memref<!tpu.dma_semaphore, #tpu.memory_space<semaphore_mem>>
    %dma_start3A_159 = arith.constant 0 : i32
    %dma_start3A_160 = tpu.memref_slice %arg3[%dma_start3A_159, %multiple_of3A_153] : memref<64x1000000xf32, #tpu.memory_space<hbm>> -> memref<64x128xf32, #tpu.memory_space<hbm>>
    tpu.enqueue_dma source(%dma_start3A_160 : memref<64x128xf32, #tpu.memory_space<hbm>>) target(%arg11 : memref<64x128xf32, #tpu.memory_space<vmem>>) target_semaphore(%dma_start3A_158 : memref<!tpu.dma_semaphore, #tpu.memory_space<semaphore_mem>>)
    %multiple_of3A_161 = arith.constant 0 : i32
    %multiple_of3A_162 = tpu.assume_multiple %multiple_of3A_161, 16 : i32
    %get3A_163 = arith.index_cast %multiple_of3A_162 : i32 to index
    %get3A_164 = tpu.vector_load %arg5[%get3A_163] {strides = array<i32>} : memref<512xi32, #tpu.memory_space<vmem>>, vector<16xi32>,
    %eq3A_165 = arith.constant 6 : i32
    %eq3A_166 = vector.broadcast %eq3A_165 : i32 to vector<16xi32>
    %eq3A_167 = arith.cmpi eq, %iota3A, %eq3A_166 : vector<16xi32>
    %jit3A_168 = arith.constant 0 : i32
    %broadcast_in_dim3A_169 = vector.broadcast %jit3A_168 : i32 to vector<16xi32>
    %select_n3A_170 = arith.select %eq3A_167, %get3A_164, %broadcast_in_dim3A_169 : vector<16xi1>, vector<16xi32>
    %reduce_sum3A_171 = arith.constant true
    %reduce_sum3A_172 = vector.broadcast %reduce_sum3A_171 : i1 to vector<16xi1>
    %reduce_sum3A_173 = tpu.scan <sum>, %select_n3A_170 masked %reduce_sum3A_172 : vector<16xi32>, vector<16xi1> -> vector<16xi32>
    %reduce_sum3A_174 = vector.extract %reduce_sum3A_173[15] : i32 from vector<16xi32>
    %shift_right_arithmetic3A_175 = arith.constant 7 : i32
    %shift_right_arithmetic3A_176 = arith.shrsi %reduce_sum3A_174, %shift_right_arithmetic3A_175 : i32
    %shift_left3A_177 = arith.constant 7 : i32
    %shift_left3A_178 = arith.shli %shift_right_arithmetic3A_176, %shift_left3A_177 : i32
    %multiple_of3A_179 = tpu.assume_multiple %shift_left3A_178, 128 : i32
    %dma_start3A_180 = arith.constant 6 : i32
    %dma_start3A_181 = arith.constant 0 : i32
    %dma_start3A_182 = tpu.memref_slice %arg3[%dma_start3A_181, %multiple_of3A_179] : memref<64x1000000xf32, #tpu.memory_space<hbm>> -> memref<64x128xf32, #tpu.memory_space<hbm>>
    %dma_start3A_183 = tpu.memref_slice %arg15[%dma_start3A_180] : memref<8x!tpu.dma_semaphore, #tpu.memory_space<semaphore_mem>> -> memref<1x!tpu.dma_semaphore, #tpu.memory_space<semaphore_mem>>
    %dma_start3A_184 = tpu.memref_squeeze %dma_start3A_183 : memref<1x!tpu.dma_semaphore, #tpu.memory_space<semaphore_mem>> -> memref<!tpu.dma_semaphore, #tpu.memory_space<semaphore_mem>>
    %dma_start3A_185 = arith.constant 0 : i32
    %dma_start3A_186 = tpu.memref_slice %arg3[%dma_start3A_185, %multiple_of3A_179] : memref<64x1000000xf32, #tpu.memory_space<hbm>> -> memref<64x128xf32, #tpu.memory_space<hbm>>
    tpu.enqueue_dma source(%dma_start3A_186 : memref<64x128xf32, #tpu.memory_space<hbm>>) target(%arg12 : memref<64x128xf32, #tpu.memory_space<vmem>>) target_semaphore(%dma_start3A_184 : memref<!tpu.dma_semaphore, #tpu.memory_space<semaphore_mem>>)
    %multiple_of3A_187 = arith.constant 0 : i32
    %multiple_of3A_188 = tpu.assume_multiple %multiple_of3A_187, 16 : i32
    %get3A_189 = arith.index_cast %multiple_of3A_188 : i32 to index
    %get3A_190 = tpu.vector_load %arg5[%get3A_189] {strides = array<i32>} : memref<512xi32, #tpu.memory_space<vmem>>, vector<16xi32>,
    %eq3A_191 = arith.constant 7 : i32
    %eq3A_192 = vector.broadcast %eq3A_191 : i32 to vector<16xi32>
    %eq3A_193 = arith.cmpi eq, %iota3A, %eq3A_192 : vector<16xi32>
    %jit3A_194 = arith.constant 0 : i32
    %broadcast_in_dim3A_195 = vector.broadcast %jit3A_194 : i32 to vector<16xi32>
    %select_n3A_196 = arith.select %eq3A_193, %get3A_190, %broadcast_in_dim3A_195 : vector<16xi1>, vector<16xi32>
    %reduce_sum3A_197 = arith.constant true
    %reduce_sum3A_198 = vector.broadcast %reduce_sum3A_197 : i1 to vector<16xi1>
    %reduce_sum3A_199 = tpu.scan <sum>, %select_n3A_196 masked %reduce_sum3A_198 : vector<16xi32>, vector<16xi1> -> vector<16xi32>
    %reduce_sum3A_200 = vector.extract %reduce_sum3A_199[15] : i32 from vector<16xi32>
    %shift_right_arithmetic3A_201 = arith.constant 7 : i32
    %shift_right_arithmetic3A_202 = arith.shrsi %reduce_sum3A_200, %shift_right_arithmetic3A_201 : i32
    %shift_left3A_203 = arith.constant 7 : i32
    %shift_left3A_204 = arith.shli %shift_right_arithmetic3A_202, %shift_left3A_203 : i32
    %multiple_of3A_205 = tpu.assume_multiple %shift_left3A_204, 128 : i32
    %dma_start3A_206 = arith.constant 7 : i32
    %dma_start3A_207 = arith.constant 0 : i32
    %dma_start3A_208 = tpu.memref_slice %arg3[%dma_start3A_207, %multiple_of3A_205] : memref<64x1000000xf32, #tpu.memory_space<hbm>> -> memref<64x128xf32, #tpu.memory_space<hbm>>
    %dma_start3A_209 = tpu.memref_slice %arg15[%dma_start3A_206] : memref<8x!tpu.dma_semaphore, #tpu.memory_space<semaphore_mem>> -> memref<1x!tpu.dma_semaphore, #tpu.memory_space<semaphore_mem>>
    %dma_start3A_210 = tpu.memref_squeeze %dma_start3A_209 : memref<1x!tpu.dma_semaphore, #tpu.memory_space<semaphore_mem>> -> memref<!tpu.dma_semaphore, #tpu.memory_space<semaphore_mem>>
    %dma_start3A_211 = arith.constant 0 : i32
    %dma_start3A_212 = tpu.memref_slice %arg3[%dma_start3A_211, %multiple_of3A_205] : memref<64x1000000xf32, #tpu.memory_space<hbm>> -> memref<64x128xf32, #tpu.memory_space<hbm>>
    tpu.enqueue_dma source(%dma_start3A_212 : memref<64x128xf32, #tpu.memory_space<hbm>>) target(%arg13 : memref<64x128xf32, #tpu.memory_space<vmem>>) target_semaphore(%dma_start3A_210 : memref<!tpu.dma_semaphore, #tpu.memory_space<semaphore_mem>>)
    %scan3A = arith.constant 0 : i32
    %scan3A_213 = arith.constant 64 : i32
    %scan3A_214 = arith.addi %scan3A, %scan3A_213 : i32
    %scan3A_215 = arith.constant 1 : i32
    scf.for %scan3A_217 = %scan3A to %scan3A_214 step %scan3A_215  : i32 {
      %mul3A_218 = arith.constant 8 : i32
      %mul3A_219 = arith.muli %scan3A_217, %mul3A_218 : i32
      %add3A_220 = arith.constant 0 : i32
      %add3A_221 = arith.addi %mul3A_219, %add3A_220 : i32
      %dma_wait3A = arith.constant 0 : i32
      %dma_wait3A_222 = arith.constant 0 : i32
      %dma_wait3A_223 = arith.constant 0 : i32
      %dma_wait3A_224 = tpu.memref_slice %arg3[%dma_wait3A_222, %dma_wait3A_223] : memref<64x1000000xf32, #tpu.memory_space<hbm>> -> memref<64x128xf32, #tpu.memory_space<hbm>>
      %dma_wait3A_225 = tpu.memref_slice %arg15[%dma_wait3A] : memref<8x!tpu.dma_semaphore, #tpu.memory_space<semaphore_mem>> -> memref<1x!tpu.dma_semaphore, #tpu.memory_space<semaphore_mem>>
      %dma_wait3A_226 = tpu.memref_squeeze %dma_wait3A_225 : memref<1x!tpu.dma_semaphore, #tpu.memory_space<semaphore_mem>> -> memref<!tpu.dma_semaphore, #tpu.memory_space<semaphore_mem>>
      %dma_wait3A_227 = arith.constant 0 : i32
      %dma_wait3A_228 = arith.constant 0 : i32
      %dma_wait3A_229 = tpu.memref_slice %arg3[%dma_wait3A_227, %dma_wait3A_228] : memref<64x1000000xf32, #tpu.memory_space<hbm>> -> memref<64x128xf32, #tpu.memory_space<hbm>>
      tpu.wait_dma2 semaphore(%dma_wait3A_226 : memref<!tpu.dma_semaphore, #tpu.memory_space<semaphore_mem>>) src(%dma_wait3A_229 : memref<64x128xf32, #tpu.memory_space<hbm>>) dst(%arg6 : memref<64x128xf32, #tpu.memory_space<vmem>>)
      %shift_right_arithmetic3A_230 = arith.constant 4 : i32
      %shift_right_arithmetic3A_231 = arith.shrsi %add3A_221, %shift_right_arithmetic3A_230 : i32
      %shift_left3A_232 = arith.constant 4 : i32
      %shift_left3A_233 = arith.shli %shift_right_arithmetic3A_231, %shift_left3A_232 : i32
      %multiple_of3A_234 = tpu.assume_multiple %shift_left3A_233, 16 : i32
      %get3A_235 = arith.index_cast %multiple_of3A_234 : i32 to index
      %get3A_236 = tpu.vector_load %arg5[%get3A_235] {strides = array<i32>} : memref<512xi32, #tpu.memory_space<vmem>>, vector<16xi32>,
      %and3A = arith.constant 15 : i32
      %and3A_237 = arith.andi %add3A_221, %and3A : i32
      %eq3A_238 = vector.broadcast %and3A_237 : i32 to vector<16xi32>
      %eq3A_239 = arith.cmpi eq, %iota3A, %eq3A_238 : vector<16xi32>
      %jit3A_240 = arith.constant 0 : i32
      %broadcast_in_dim3A_241 = vector.broadcast %jit3A_240 : i32 to vector<16xi32>
      %select_n3A_242 = arith.select %eq3A_239, %get3A_236, %broadcast_in_dim3A_241 : vector<16xi1>, vector<16xi32>
      %reduce_sum3A_243 = arith.constant true
      %reduce_sum3A_244 = vector.broadcast %reduce_sum3A_243 : i1 to vector<16xi1>
      %reduce_sum3A_245 = tpu.scan <sum>, %select_n3A_242 masked %reduce_sum3A_244 : vector<16xi32>, vector<16xi1> -> vector<16xi32>
      %reduce_sum3A_246 = vector.extract %reduce_sum3A_245[15] : i32 from vector<16xi32>
      %and3A_247 = arith.constant 127 : i32
      %and3A_248 = arith.andi %reduce_sum3A_246, %and3A_247 : i32
      %broadcast_in_dim3A_249 = vector.broadcast %and3A_248 : i32 to vector<16xi32>
      %broadcast_in_dim3A_250 = vector.broadcast %add3A_221 : i32 to vector<16xi32>
      %gather3A = tpu.vector_load_idx %arg6[%add3A_5, %broadcast_in_dim3A_249] : memref<64x128xf32, #tpu.memory_space<vmem>>[vector<16xi32>, vector<16xi32>], vector<16xf32>,
      tpu.vector_store_idx %arg14[%add3A_5, %broadcast_in_dim3A_250], %gather3A : memref<64x512xf32, #tpu.memory_space<vmem>>[vector<16xi32>, vector<16xi32>], vector<16xf32>,
      %gather3A_251 = tpu.vector_load_idx %arg6[%add3A_8, %broadcast_in_dim3A_249] : memref<64x128xf32, #tpu.memory_space<vmem>>[vector<16xi32>, vector<16xi32>], vector<16xf32>,
      tpu.vector_store_idx %arg14[%add3A_8, %broadcast_in_dim3A_250], %gather3A_251 : memref<64x512xf32, #tpu.memory_space<vmem>>[vector<16xi32>, vector<16xi32>], vector<16xf32>,
      %gather3A_252 = tpu.vector_load_idx %arg6[%add3A_11, %broadcast_in_dim3A_249] : memref<64x128xf32, #tpu.memory_space<vmem>>[vector<16xi32>, vector<16xi32>], vector<16xf32>,
      tpu.vector_store_idx %arg14[%add3A_11, %broadcast_in_dim3A_250], %gather3A_252 : memref<64x512xf32, #tpu.memory_space<vmem>>[vector<16xi32>, vector<16xi32>], vector<16xf32>,
      %gather3A_253 = tpu.vector_load_idx %arg6[%add3A_14, %broadcast_in_dim3A_249] : memref<64x128xf32, #tpu.memory_space<vmem>>[vector<16xi32>, vector<16xi32>], vector<16xf32>,
      tpu.vector_store_idx %arg14[%add3A_14, %broadcast_in_dim3A_250], %gather3A_253 : memref<64x512xf32, #tpu.memory_space<vmem>>[vector<16xi32>, vector<16xi32>], vector<16xf32>,
      %add3A_254 = arith.constant 8 : i32
      %add3A_255 = arith.addi %add3A_221, %add3A_254 : i32
      %lt3A = arith.constant 512 : i32
      %lt3A_256 = arith.cmpi slt, %add3A_255, %lt3A : i32
      %convert_element_type3A = arith.extui %lt3A_256 : i1 to i32
      %cond3A = arith.constant 0 : i32
      %cond3A_257 = arith.cmpi ne, %convert_element_type3A, %cond3A : i32
      scf.if %cond3A_257 {
        %shift_right_arithmetic3A_580 = arith.constant 4 : i32
        %shift_right_arithmetic3A_581 = arith.shrsi %add3A_255, %shift_right_arithmetic3A_580 : i32
        %shift_left3A_582 = arith.constant 4 : i32
        %shift_left3A_583 = arith.shli %shift_right_arithmetic3A_581, %shift_left3A_582 : i32
        %multiple_of3A_584 = tpu.assume_multiple %shift_left3A_583, 16 : i32
        %get3A_585 = arith.index_cast %multiple_of3A_584 : i32 to index
        %get3A_586 = tpu.vector_load %arg5[%get3A_585] {strides = array<i32>} : memref<512xi32, #tpu.memory_space<vmem>>, vector<16xi32>,
        %and3A_587 = arith.constant 15 : i32
        %and3A_588 = arith.andi %add3A_255, %and3A_587 : i32
        %eq3A_589 = vector.broadcast %and3A_588 : i32 to vector<16xi32>
        %eq3A_590 = arith.cmpi eq, %iota3A, %eq3A_589 : vector<16xi32>
        %jit3A_591 = arith.constant 0 : i32
        %broadcast_in_dim3A_592 = vector.broadcast %jit3A_591 : i32 to vector<16xi32>
        %select_n3A_593 = arith.select %eq3A_590, %get3A_586, %broadcast_in_dim3A_592 : vector<16xi1>, vector<16xi32>
        %reduce_sum3A_594 = arith.constant true
        %reduce_sum3A_595 = vector.broadcast %reduce_sum3A_594 : i1 to vector<16xi1>
        %reduce_sum3A_596 = tpu.scan <sum>, %select_n3A_593 masked %reduce_sum3A_595 : vector<16xi32>, vector<16xi1> -> vector<16xi32>
        %reduce_sum3A_597 = vector.extract %reduce_sum3A_596[15] : i32 from vector<16xi32>
        %shift_right_arithmetic3A_598 = arith.constant 7 : i32
        %shift_right_arithmetic3A_599 = arith.shrsi %reduce_sum3A_597, %shift_right_arithmetic3A_598 : i32
        %shift_left3A_600 = arith.constant 7 : i32
        %shift_left3A_601 = arith.shli %shift_right_arithmetic3A_599, %shift_left3A_600 : i32
        %multiple_of3A_602 = tpu.assume_multiple %shift_left3A_601, 128 : i32
        %dma_start3A_603 = arith.constant 0 : i32
        %dma_start3A_604 = arith.constant 0 : i32
        %dma_start3A_605 = tpu.memref_slice %arg3[%dma_start3A_604, %multiple_of3A_602] : memref<64x1000000xf32, #tpu.memory_space<hbm>> -> memref<64x128xf32, #tpu.memory_space<hbm>>
        %dma_start3A_606 = tpu.memref_slice %arg15[%dma_start3A_603] : memref<8x!tpu.dma_semaphore, #tpu.memory_space<semaphore_mem>> -> memref<1x!tpu.dma_semaphore, #tpu.memory_space<semaphore_mem>>
        %dma_start3A_607 = tpu.memref_squeeze %dma_start3A_606 : memref<1x!tpu.dma_semaphore, #tpu.memory_space<semaphore_mem>> -> memref<!tpu.dma_semaphore, #tpu.memory_space<semaphore_mem>>
        %dma_start3A_608 = arith.constant 0 : i32
        %dma_start3A_609 = tpu.memref_slice %arg3[%dma_start3A_608, %multiple_of3A_602] : memref<64x1000000xf32, #tpu.memory_space<hbm>> -> memref<64x128xf32, #tpu.memory_space<hbm>>
        tpu.enqueue_dma source(%dma_start3A_609 : memref<64x128xf32, #tpu.memory_space<hbm>>) target(%arg6 : memref<64x128xf32, #tpu.memory_space<vmem>>) target_semaphore(%dma_start3A_607 : memref<!tpu.dma_semaphore, #tpu.memory_space<semaphore_mem>>)
      } else {
      }
      %mul3A_258 = arith.constant 8 : i32
      %mul3A_259 = arith.muli %scan3A_217, %mul3A_258 : i32
      %add3A_260 = arith.constant 1 : i32
      %add3A_261 = arith.addi %mul3A_259, %add3A_260 : i32
      %dma_wait3A_262 = arith.constant 1 : i32
      %dma_wait3A_263 = arith.constant 0 : i32
      %dma_wait3A_264 = arith.constant 0 : i32
      %dma_wait3A_265 = tpu.memref_slice %arg3[%dma_wait3A_263, %dma_wait3A_264] : memref<64x1000000xf32, #tpu.memory_space<hbm>> -> memref<64x128xf32, #tpu.memory_space<hbm>>
      %dma_wait3A_266 = tpu.memref_slice %arg15[%dma_wait3A_262] : memref<8x!tpu.dma_semaphore, #tpu.memory_space<semaphore_mem>> -> memref<1x!tpu.dma_semaphore, #tpu.memory_space<semaphore_mem>>
      %dma_wait3A_267 = tpu.memref_squeeze %dma_wait3A_266 : memref<1x!tpu.dma_semaphore, #tpu.memory_space<semaphore_mem>> -> memref<!tpu.dma_semaphore, #tpu.memory_space<semaphore_mem>>
      %dma_wait3A_268 = arith.constant 0 : i32
      %dma_wait3A_269 = arith.constant 0 : i32
      %dma_wait3A_270 = tpu.memref_slice %arg3[%dma_wait3A_268, %dma_wait3A_269] : memref<64x1000000xf32, #tpu.memory_space<hbm>> -> memref<64x128xf32, #tpu.memory_space<hbm>>
      tpu.wait_dma2 semaphore(%dma_wait3A_267 : memref<!tpu.dma_semaphore, #tpu.memory_space<semaphore_mem>>) src(%dma_wait3A_270 : memref<64x128xf32, #tpu.memory_space<hbm>>) dst(%arg7 : memref<64x128xf32, #tpu.memory_space<vmem>>)
      %shift_right_arithmetic3A_271 = arith.constant 4 : i32
      %shift_right_arithmetic3A_272 = arith.shrsi %add3A_261, %shift_right_arithmetic3A_271 : i32
      %shift_left3A_273 = arith.constant 4 : i32
      %shift_left3A_274 = arith.shli %shift_right_arithmetic3A_272, %shift_left3A_273 : i32
      %multiple_of3A_275 = tpu.assume_multiple %shift_left3A_274, 16 : i32
      %get3A_276 = arith.index_cast %multiple_of3A_275 : i32 to index
      %get3A_277 = tpu.vector_load %arg5[%get3A_276] {strides = array<i32>} : memref<512xi32, #tpu.memory_space<vmem>>, vector<16xi32>,
      %and3A_278 = arith.constant 15 : i32
      %and3A_279 = arith.andi %add3A_261, %and3A_278 : i32
      %eq3A_280 = vector.broadcast %and3A_279 : i32 to vector<16xi32>
      %eq3A_281 = arith.cmpi eq, %iota3A, %eq3A_280 : vector<16xi32>
      %jit3A_282 = arith.constant 0 : i32
      %broadcast_in_dim3A_283 = vector.broadcast %jit3A_282 : i32 to vector<16xi32>
      %select_n3A_284 = arith.select %eq3A_281, %get3A_277, %broadcast_in_dim3A_283 : vector<16xi1>, vector<16xi32>
      %reduce_sum3A_285 = arith.constant true
      %reduce_sum3A_286 = vector.broadcast %reduce_sum3A_285 : i1 to vector<16xi1>
      %reduce_sum3A_287 = tpu.scan <sum>, %select_n3A_284 masked %reduce_sum3A_286 : vector<16xi32>, vector<16xi1> -> vector<16xi32>
      %reduce_sum3A_288 = vector.extract %reduce_sum3A_287[15] : i32 from vector<16xi32>
      %and3A_289 = arith.constant 127 : i32
      %and3A_290 = arith.andi %reduce_sum3A_288, %and3A_289 : i32
      %broadcast_in_dim3A_291 = vector.broadcast %and3A_290 : i32 to vector<16xi32>
      %broadcast_in_dim3A_292 = vector.broadcast %add3A_261 : i32 to vector<16xi32>
      %gather3A_293 = tpu.vector_load_idx %arg7[%add3A_5, %broadcast_in_dim3A_291] : memref<64x128xf32, #tpu.memory_space<vmem>>[vector<16xi32>, vector<16xi32>], vector<16xf32>,
      tpu.vector_store_idx %arg14[%add3A_5, %broadcast_in_dim3A_292], %gather3A_293 : memref<64x512xf32, #tpu.memory_space<vmem>>[vector<16xi32>, vector<16xi32>], vector<16xf32>,
      %gather3A_294 = tpu.vector_load_idx %arg7[%add3A_8, %broadcast_in_dim3A_291] : memref<64x128xf32, #tpu.memory_space<vmem>>[vector<16xi32>, vector<16xi32>], vector<16xf32>,
      tpu.vector_store_idx %arg14[%add3A_8, %broadcast_in_dim3A_292], %gather3A_294 : memref<64x512xf32, #tpu.memory_space<vmem>>[vector<16xi32>, vector<16xi32>], vector<16xf32>,
      %gather3A_295 = tpu.vector_load_idx %arg7[%add3A_11, %broadcast_in_dim3A_291] : memref<64x128xf32, #tpu.memory_space<vmem>>[vector<16xi32>, vector<16xi32>], vector<16xf32>,
      tpu.vector_store_idx %arg14[%add3A_11, %broadcast_in_dim3A_292], %gather3A_295 : memref<64x512xf32, #tpu.memory_space<vmem>>[vector<16xi32>, vector<16xi32>], vector<16xf32>,
      %gather3A_296 = tpu.vector_load_idx %arg7[%add3A_14, %broadcast_in_dim3A_291] : memref<64x128xf32, #tpu.memory_space<vmem>>[vector<16xi32>, vector<16xi32>], vector<16xf32>,
      tpu.vector_store_idx %arg14[%add3A_14, %broadcast_in_dim3A_292], %gather3A_296 : memref<64x512xf32, #tpu.memory_space<vmem>>[vector<16xi32>, vector<16xi32>], vector<16xf32>,
      %add3A_297 = arith.constant 8 : i32
      %add3A_298 = arith.addi %add3A_261, %add3A_297 : i32
      %lt3A_299 = arith.constant 512 : i32
      %lt3A_300 = arith.cmpi slt, %add3A_298, %lt3A_299 : i32
      %convert_element_type3A_301 = arith.extui %lt3A_300 : i1 to i32
      %cond3A_302 = arith.constant 0 : i32
      %cond3A_303 = arith.cmpi ne, %convert_element_type3A_301, %cond3A_302 : i32
      scf.if %cond3A_303 {
        %shift_right_arithmetic3A_580 = arith.constant 4 : i32
        %shift_right_arithmetic3A_581 = arith.shrsi %add3A_298, %shift_right_arithmetic3A_580 : i32
        %shift_left3A_582 = arith.constant 4 : i32
        %shift_left3A_583 = arith.shli %shift_right_arithmetic3A_581, %shift_left3A_582 : i32
        %multiple_of3A_584 = tpu.assume_multiple %shift_left3A_583, 16 : i32
        %get3A_585 = arith.index_cast %multiple_of3A_584 : i32 to index
        %get3A_586 = tpu.vector_load %arg5[%get3A_585] {strides = array<i32>} : memref<512xi32, #tpu.memory_space<vmem>>, vector<16xi32>,
        %and3A_587 = arith.constant 15 : i32
        %and3A_588 = arith.andi %add3A_298, %and3A_587 : i32
        %eq3A_589 = vector.broadcast %and3A_588 : i32 to vector<16xi32>
        %eq3A_590 = arith.cmpi eq, %iota3A, %eq3A_589 : vector<16xi32>
        %jit3A_591 = arith.constant 0 : i32
        %broadcast_in_dim3A_592 = vector.broadcast %jit3A_591 : i32 to vector<16xi32>
        %select_n3A_593 = arith.select %eq3A_590, %get3A_586, %broadcast_in_dim3A_592 : vector<16xi1>, vector<16xi32>
        %reduce_sum3A_594 = arith.constant true
        %reduce_sum3A_595 = vector.broadcast %reduce_sum3A_594 : i1 to vector<16xi1>
        %reduce_sum3A_596 = tpu.scan <sum>, %select_n3A_593 masked %reduce_sum3A_595 : vector<16xi32>, vector<16xi1> -> vector<16xi32>
        %reduce_sum3A_597 = vector.extract %reduce_sum3A_596[15] : i32 from vector<16xi32>
        %shift_right_arithmetic3A_598 = arith.constant 7 : i32
        %shift_right_arithmetic3A_599 = arith.shrsi %reduce_sum3A_597, %shift_right_arithmetic3A_598 : i32
        %shift_left3A_600 = arith.constant 7 : i32
        %shift_left3A_601 = arith.shli %shift_right_arithmetic3A_599, %shift_left3A_600 : i32
        %multiple_of3A_602 = tpu.assume_multiple %shift_left3A_601, 128 : i32
        %dma_start3A_603 = arith.constant 1 : i32
        %dma_start3A_604 = arith.constant 0 : i32
        %dma_start3A_605 = tpu.memref_slice %arg3[%dma_start3A_604, %multiple_of3A_602] : memref<64x1000000xf32, #tpu.memory_space<hbm>> -> memref<64x128xf32, #tpu.memory_space<hbm>>
        %dma_start3A_606 = tpu.memref_slice %arg15[%dma_start3A_603] : memref<8x!tpu.dma_semaphore, #tpu.memory_space<semaphore_mem>> -> memref<1x!tpu.dma_semaphore, #tpu.memory_space<semaphore_mem>>
        %dma_start3A_607 = tpu.memref_squeeze %dma_start3A_606 : memref<1x!tpu.dma_semaphore, #tpu.memory_space<semaphore_mem>> -> memref<!tpu.dma_semaphore, #tpu.memory_space<semaphore_mem>>
        %dma_start3A_608 = arith.constant 0 : i32
        %dma_start3A_609 = tpu.memref_slice %arg3[%dma_start3A_608, %multiple_of3A_602] : memref<64x1000000xf32, #tpu.memory_space<hbm>> -> memref<64x128xf32, #tpu.memory_space<hbm>>
        tpu.enqueue_dma source(%dma_start3A_609 : memref<64x128xf32, #tpu.memory_space<hbm>>) target(%arg7 : memref<64x128xf32, #tpu.memory_space<vmem>>) target_semaphore(%dma_start3A_607 : memref<!tpu.dma_semaphore, #tpu.memory_space<semaphore_mem>>)
      } else {
      }
      %mul3A_304 = arith.constant 8 : i32
      %mul3A_305 = arith.muli %scan3A_217, %mul3A_304 : i32
      %add3A_306 = arith.constant 2 : i32
      %add3A_307 = arith.addi %mul3A_305, %add3A_306 : i32
      %dma_wait3A_308 = arith.constant 2 : i32
      %dma_wait3A_309 = arith.constant 0 : i32
      %dma_wait3A_310 = arith.constant 0 : i32
      %dma_wait3A_311 = tpu.memref_slice %arg3[%dma_wait3A_309, %dma_wait3A_310] : memref<64x1000000xf32, #tpu.memory_space<hbm>> -> memref<64x128xf32, #tpu.memory_space<hbm>>
      %dma_wait3A_312 = tpu.memref_slice %arg15[%dma_wait3A_308] : memref<8x!tpu.dma_semaphore, #tpu.memory_space<semaphore_mem>> -> memref<1x!tpu.dma_semaphore, #tpu.memory_space<semaphore_mem>>
      %dma_wait3A_313 = tpu.memref_squeeze %dma_wait3A_312 : memref<1x!tpu.dma_semaphore, #tpu.memory_space<semaphore_mem>> -> memref<!tpu.dma_semaphore, #tpu.memory_space<semaphore_mem>>
      %dma_wait3A_314 = arith.constant 0 : i32
      %dma_wait3A_315 = arith.constant 0 : i32
      %dma_wait3A_316 = tpu.memref_slice %arg3[%dma_wait3A_314, %dma_wait3A_315] : memref<64x1000000xf32, #tpu.memory_space<hbm>> -> memref<64x128xf32, #tpu.memory_space<hbm>>
      tpu.wait_dma2 semaphore(%dma_wait3A_313 : memref<!tpu.dma_semaphore, #tpu.memory_space<semaphore_mem>>) src(%dma_wait3A_316 : memref<64x128xf32, #tpu.memory_space<hbm>>) dst(%arg8 : memref<64x128xf32, #tpu.memory_space<vmem>>)
      %shift_right_arithmetic3A_317 = arith.constant 4 : i32
      %shift_right_arithmetic3A_318 = arith.shrsi %add3A_307, %shift_right_arithmetic3A_317 : i32
      %shift_left3A_319 = arith.constant 4 : i32
      %shift_left3A_320 = arith.shli %shift_right_arithmetic3A_318, %shift_left3A_319 : i32
      %multiple_of3A_321 = tpu.assume_multiple %shift_left3A_320, 16 : i32
      %get3A_322 = arith.index_cast %multiple_of3A_321 : i32 to index
      %get3A_323 = tpu.vector_load %arg5[%get3A_322] {strides = array<i32>} : memref<512xi32, #tpu.memory_space<vmem>>, vector<16xi32>,
      %and3A_324 = arith.constant 15 : i32
      %and3A_325 = arith.andi %add3A_307, %and3A_324 : i32
      %eq3A_326 = vector.broadcast %and3A_325 : i32 to vector<16xi32>
      %eq3A_327 = arith.cmpi eq, %iota3A, %eq3A_326 : vector<16xi32>
      %jit3A_328 = arith.constant 0 : i32
      %broadcast_in_dim3A_329 = vector.broadcast %jit3A_328 : i32 to vector<16xi32>
      %select_n3A_330 = arith.select %eq3A_327, %get3A_323, %broadcast_in_dim3A_329 : vector<16xi1>, vector<16xi32>
      %reduce_sum3A_331 = arith.constant true
      %reduce_sum3A_332 = vector.broadcast %reduce_sum3A_331 : i1 to vector<16xi1>
      %reduce_sum3A_333 = tpu.scan <sum>, %select_n3A_330 masked %reduce_sum3A_332 : vector<16xi32>, vector<16xi1> -> vector<16xi32>
      %reduce_sum3A_334 = vector.extract %reduce_sum3A_333[15] : i32 from vector<16xi32>
      %and3A_335 = arith.constant 127 : i32
      %and3A_336 = arith.andi %reduce_sum3A_334, %and3A_335 : i32
      %broadcast_in_dim3A_337 = vector.broadcast %and3A_336 : i32 to vector<16xi32>
      %broadcast_in_dim3A_338 = vector.broadcast %add3A_307 : i32 to vector<16xi32>
      %gather3A_339 = tpu.vector_load_idx %arg8[%add3A_5, %broadcast_in_dim3A_337] : memref<64x128xf32, #tpu.memory_space<vmem>>[vector<16xi32>, vector<16xi32>], vector<16xf32>,
      tpu.vector_store_idx %arg14[%add3A_5, %broadcast_in_dim3A_338], %gather3A_339 : memref<64x512xf32, #tpu.memory_space<vmem>>[vector<16xi32>, vector<16xi32>], vector<16xf32>,
      %gather3A_340 = tpu.vector_load_idx %arg8[%add3A_8, %broadcast_in_dim3A_337] : memref<64x128xf32, #tpu.memory_space<vmem>>[vector<16xi32>, vector<16xi32>], vector<16xf32>,
      tpu.vector_store_idx %arg14[%add3A_8, %broadcast_in_dim3A_338], %gather3A_340 : memref<64x512xf32, #tpu.memory_space<vmem>>[vector<16xi32>, vector<16xi32>], vector<16xf32>,
      %gather3A_341 = tpu.vector_load_idx %arg8[%add3A_11, %broadcast_in_dim3A_337] : memref<64x128xf32, #tpu.memory_space<vmem>>[vector<16xi32>, vector<16xi32>], vector<16xf32>,
      tpu.vector_store_idx %arg14[%add3A_11, %broadcast_in_dim3A_338], %gather3A_341 : memref<64x512xf32, #tpu.memory_space<vmem>>[vector<16xi32>, vector<16xi32>], vector<16xf32>,
      %gather3A_342 = tpu.vector_load_idx %arg8[%add3A_14, %broadcast_in_dim3A_337] : memref<64x128xf32, #tpu.memory_space<vmem>>[vector<16xi32>, vector<16xi32>], vector<16xf32>,
      tpu.vector_store_idx %arg14[%add3A_14, %broadcast_in_dim3A_338], %gather3A_342 : memref<64x512xf32, #tpu.memory_space<vmem>>[vector<16xi32>, vector<16xi32>], vector<16xf32>,
      %add3A_343 = arith.constant 8 : i32
      %add3A_344 = arith.addi %add3A_307, %add3A_343 : i32
      %lt3A_345 = arith.constant 512 : i32
      %lt3A_346 = arith.cmpi slt, %add3A_344, %lt3A_345 : i32
      %convert_element_type3A_347 = arith.extui %lt3A_346 : i1 to i32
      %cond3A_348 = arith.constant 0 : i32
      %cond3A_349 = arith.cmpi ne, %convert_element_type3A_347, %cond3A_348 : i32
      scf.if %cond3A_349 {
        %shift_right_arithmetic3A_580 = arith.constant 4 : i32
        %shift_right_arithmetic3A_581 = arith.shrsi %add3A_344, %shift_right_arithmetic3A_580 : i32
        %shift_left3A_582 = arith.constant 4 : i32
        %shift_left3A_583 = arith.shli %shift_right_arithmetic3A_581, %shift_left3A_582 : i32
        %multiple_of3A_584 = tpu.assume_multiple %shift_left3A_583, 16 : i32
        %get3A_585 = arith.index_cast %multiple_of3A_584 : i32 to index
        %get3A_586 = tpu.vector_load %arg5[%get3A_585] {strides = array<i32>} : memref<512xi32, #tpu.memory_space<vmem>>, vector<16xi32>,
        %and3A_587 = arith.constant 15 : i32
        %and3A_588 = arith.andi %add3A_344, %and3A_587 : i32
        %eq3A_589 = vector.broadcast %and3A_588 : i32 to vector<16xi32>
        %eq3A_590 = arith.cmpi eq, %iota3A, %eq3A_589 : vector<16xi32>
        %jit3A_591 = arith.constant 0 : i32
        %broadcast_in_dim3A_592 = vector.broadcast %jit3A_591 : i32 to vector<16xi32>
        %select_n3A_593 = arith.select %eq3A_590, %get3A_586, %broadcast_in_dim3A_592 : vector<16xi1>, vector<16xi32>
        %reduce_sum3A_594 = arith.constant true
        %reduce_sum3A_595 = vector.broadcast %reduce_sum3A_594 : i1 to vector<16xi1>
        %reduce_sum3A_596 = tpu.scan <sum>, %select_n3A_593 masked %reduce_sum3A_595 : vector<16xi32>, vector<16xi1> -> vector<16xi32>
        %reduce_sum3A_597 = vector.extract %reduce_sum3A_596[15] : i32 from vector<16xi32>
        %shift_right_arithmetic3A_598 = arith.constant 7 : i32
        %shift_right_arithmetic3A_599 = arith.shrsi %reduce_sum3A_597, %shift_right_arithmetic3A_598 : i32
        %shift_left3A_600 = arith.constant 7 : i32
        %shift_left3A_601 = arith.shli %shift_right_arithmetic3A_599, %shift_left3A_600 : i32
        %multiple_of3A_602 = tpu.assume_multiple %shift_left3A_601, 128 : i32
        %dma_start3A_603 = arith.constant 2 : i32
        %dma_start3A_604 = arith.constant 0 : i32
        %dma_start3A_605 = tpu.memref_slice %arg3[%dma_start3A_604, %multiple_of3A_602] : memref<64x1000000xf32, #tpu.memory_space<hbm>> -> memref<64x128xf32, #tpu.memory_space<hbm>>
        %dma_start3A_606 = tpu.memref_slice %arg15[%dma_start3A_603] : memref<8x!tpu.dma_semaphore, #tpu.memory_space<semaphore_mem>> -> memref<1x!tpu.dma_semaphore, #tpu.memory_space<semaphore_mem>>
        %dma_start3A_607 = tpu.memref_squeeze %dma_start3A_606 : memref<1x!tpu.dma_semaphore, #tpu.memory_space<semaphore_mem>> -> memref<!tpu.dma_semaphore, #tpu.memory_space<semaphore_mem>>
        %dma_start3A_608 = arith.constant 0 : i32
        %dma_start3A_609 = tpu.memref_slice %arg3[%dma_start3A_608, %multiple_of3A_602] : memref<64x1000000xf32, #tpu.memory_space<hbm>> -> memref<64x128xf32, #tpu.memory_space<hbm>>
        tpu.enqueue_dma source(%dma_start3A_609 : memref<64x128xf32, #tpu.memory_space<hbm>>) target(%arg8 : memref<64x128xf32, #tpu.memory_space<vmem>>) target_semaphore(%dma_start3A_607 : memref<!tpu.dma_semaphore, #tpu.memory_space<semaphore_mem>>)
      } else {
      }
      %mul3A_350 = arith.constant 8 : i32
      %mul3A_351 = arith.muli %scan3A_217, %mul3A_350 : i32
      %add3A_352 = arith.constant 3 : i32
      %add3A_353 = arith.addi %mul3A_351, %add3A_352 : i32
      %dma_wait3A_354 = arith.constant 3 : i32
      %dma_wait3A_355 = arith.constant 0 : i32
      %dma_wait3A_356 = arith.constant 0 : i32
      %dma_wait3A_357 = tpu.memref_slice %arg3[%dma_wait3A_355, %dma_wait3A_356] : memref<64x1000000xf32, #tpu.memory_space<hbm>> -> memref<64x128xf32, #tpu.memory_space<hbm>>
      %dma_wait3A_358 = tpu.memref_slice %arg15[%dma_wait3A_354] : memref<8x!tpu.dma_semaphore, #tpu.memory_space<semaphore_mem>> -> memref<1x!tpu.dma_semaphore, #tpu.memory_space<semaphore_mem>>
      %dma_wait3A_359 = tpu.memref_squeeze %dma_wait3A_358 : memref<1x!tpu.dma_semaphore, #tpu.memory_space<semaphore_mem>> -> memref<!tpu.dma_semaphore, #tpu.memory_space<semaphore_mem>>
      %dma_wait3A_360 = arith.constant 0 : i32
      %dma_wait3A_361 = arith.constant 0 : i32
      %dma_wait3A_362 = tpu.memref_slice %arg3[%dma_wait3A_360, %dma_wait3A_361] : memref<64x1000000xf32, #tpu.memory_space<hbm>> -> memref<64x128xf32, #tpu.memory_space<hbm>>
      tpu.wait_dma2 semaphore(%dma_wait3A_359 : memref<!tpu.dma_semaphore, #tpu.memory_space<semaphore_mem>>) src(%dma_wait3A_362 : memref<64x128xf32, #tpu.memory_space<hbm>>) dst(%arg9 : memref<64x128xf32, #tpu.memory_space<vmem>>)
      %shift_right_arithmetic3A_363 = arith.constant 4 : i32
      %shift_right_arithmetic3A_364 = arith.shrsi %add3A_353, %shift_right_arithmetic3A_363 : i32
      %shift_left3A_365 = arith.constant 4 : i32
      %shift_left3A_366 = arith.shli %shift_right_arithmetic3A_364, %shift_left3A_365 : i32
      %multiple_of3A_367 = tpu.assume_multiple %shift_left3A_366, 16 : i32
      %get3A_368 = arith.index_cast %multiple_of3A_367 : i32 to index
      %get3A_369 = tpu.vector_load %arg5[%get3A_368] {strides = array<i32>} : memref<512xi32, #tpu.memory_space<vmem>>, vector<16xi32>,
      %and3A_370 = arith.constant 15 : i32
      %and3A_371 = arith.andi %add3A_353, %and3A_370 : i32
      %eq3A_372 = vector.broadcast %and3A_371 : i32 to vector<16xi32>
      %eq3A_373 = arith.cmpi eq, %iota3A, %eq3A_372 : vector<16xi32>
      %jit3A_374 = arith.constant 0 : i32
      %broadcast_in_dim3A_375 = vector.broadcast %jit3A_374 : i32 to vector<16xi32>
      %select_n3A_376 = arith.select %eq3A_373, %get3A_369, %broadcast_in_dim3A_375 : vector<16xi1>, vector<16xi32>
      %reduce_sum3A_377 = arith.constant true
      %reduce_sum3A_378 = vector.broadcast %reduce_sum3A_377 : i1 to vector<16xi1>
      %reduce_sum3A_379 = tpu.scan <sum>, %select_n3A_376 masked %reduce_sum3A_378 : vector<16xi32>, vector<16xi1> -> vector<16xi32>
      %reduce_sum3A_380 = vector.extract %reduce_sum3A_379[15] : i32 from vector<16xi32>
      %and3A_381 = arith.constant 127 : i32
      %and3A_382 = arith.andi %reduce_sum3A_380, %and3A_381 : i32
      %broadcast_in_dim3A_383 = vector.broadcast %and3A_382 : i32 to vector<16xi32>
      %broadcast_in_dim3A_384 = vector.broadcast %add3A_353 : i32 to vector<16xi32>
      %gather3A_385 = tpu.vector_load_idx %arg9[%add3A_5, %broadcast_in_dim3A_383] : memref<64x128xf32, #tpu.memory_space<vmem>>[vector<16xi32>, vector<16xi32>], vector<16xf32>,
      tpu.vector_store_idx %arg14[%add3A_5, %broadcast_in_dim3A_384], %gather3A_385 : memref<64x512xf32, #tpu.memory_space<vmem>>[vector<16xi32>, vector<16xi32>], vector<16xf32>,
      %gather3A_386 = tpu.vector_load_idx %arg9[%add3A_8, %broadcast_in_dim3A_383] : memref<64x128xf32, #tpu.memory_space<vmem>>[vector<16xi32>, vector<16xi32>], vector<16xf32>,
      tpu.vector_store_idx %arg14[%add3A_8, %broadcast_in_dim3A_384], %gather3A_386 : memref<64x512xf32, #tpu.memory_space<vmem>>[vector<16xi32>, vector<16xi32>], vector<16xf32>,
      %gather3A_387 = tpu.vector_load_idx %arg9[%add3A_11, %broadcast_in_dim3A_383] : memref<64x128xf32, #tpu.memory_space<vmem>>[vector<16xi32>, vector<16xi32>], vector<16xf32>,
      tpu.vector_store_idx %arg14[%add3A_11, %broadcast_in_dim3A_384], %gather3A_387 : memref<64x512xf32, #tpu.memory_space<vmem>>[vector<16xi32>, vector<16xi32>], vector<16xf32>,
      %gather3A_388 = tpu.vector_load_idx %arg9[%add3A_14, %broadcast_in_dim3A_383] : memref<64x128xf32, #tpu.memory_space<vmem>>[vector<16xi32>, vector<16xi32>], vector<16xf32>,
      tpu.vector_store_idx %arg14[%add3A_14, %broadcast_in_dim3A_384], %gather3A_388 : memref<64x512xf32, #tpu.memory_space<vmem>>[vector<16xi32>, vector<16xi32>], vector<16xf32>,
      %add3A_389 = arith.constant 8 : i32
      %add3A_390 = arith.addi %add3A_353, %add3A_389 : i32
      %lt3A_391 = arith.constant 512 : i32
      %lt3A_392 = arith.cmpi slt, %add3A_390, %lt3A_391 : i32
      %convert_element_type3A_393 = arith.extui %lt3A_392 : i1 to i32
      %cond3A_394 = arith.constant 0 : i32
      %cond3A_395 = arith.cmpi ne, %convert_element_type3A_393, %cond3A_394 : i32
      scf.if %cond3A_395 {
        %shift_right_arithmetic3A_580 = arith.constant 4 : i32
        %shift_right_arithmetic3A_581 = arith.shrsi %add3A_390, %shift_right_arithmetic3A_580 : i32
        %shift_left3A_582 = arith.constant 4 : i32
        %shift_left3A_583 = arith.shli %shift_right_arithmetic3A_581, %shift_left3A_582 : i32
        %multiple_of3A_584 = tpu.assume_multiple %shift_left3A_583, 16 : i32
        %get3A_585 = arith.index_cast %multiple_of3A_584 : i32 to index
        %get3A_586 = tpu.vector_load %arg5[%get3A_585] {strides = array<i32>} : memref<512xi32, #tpu.memory_space<vmem>>, vector<16xi32>,
        %and3A_587 = arith.constant 15 : i32
        %and3A_588 = arith.andi %add3A_390, %and3A_587 : i32
        %eq3A_589 = vector.broadcast %and3A_588 : i32 to vector<16xi32>
        %eq3A_590 = arith.cmpi eq, %iota3A, %eq3A_589 : vector<16xi32>
        %jit3A_591 = arith.constant 0 : i32
        %broadcast_in_dim3A_592 = vector.broadcast %jit3A_591 : i32 to vector<16xi32>
        %select_n3A_593 = arith.select %eq3A_590, %get3A_586, %broadcast_in_dim3A_592 : vector<16xi1>, vector<16xi32>
        %reduce_sum3A_594 = arith.constant true
        %reduce_sum3A_595 = vector.broadcast %reduce_sum3A_594 : i1 to vector<16xi1>
        %reduce_sum3A_596 = tpu.scan <sum>, %select_n3A_593 masked %reduce_sum3A_595 : vector<16xi32>, vector<16xi1> -> vector<16xi32>
        %reduce_sum3A_597 = vector.extract %reduce_sum3A_596[15] : i32 from vector<16xi32>
        %shift_right_arithmetic3A_598 = arith.constant 7 : i32
        %shift_right_arithmetic3A_599 = arith.shrsi %reduce_sum3A_597, %shift_right_arithmetic3A_598 : i32
        %shift_left3A_600 = arith.constant 7 : i32
        %shift_left3A_601 = arith.shli %shift_right_arithmetic3A_599, %shift_left3A_600 : i32
        %multiple_of3A_602 = tpu.assume_multiple %shift_left3A_601, 128 : i32
        %dma_start3A_603 = arith.constant 3 : i32
        %dma_start3A_604 = arith.constant 0 : i32
        %dma_start3A_605 = tpu.memref_slice %arg3[%dma_start3A_604, %multiple_of3A_602] : memref<64x1000000xf32, #tpu.memory_space<hbm>> -> memref<64x128xf32, #tpu.memory_space<hbm>>
        %dma_start3A_606 = tpu.memref_slice %arg15[%dma_start3A_603] : memref<8x!tpu.dma_semaphore, #tpu.memory_space<semaphore_mem>> -> memref<1x!tpu.dma_semaphore, #tpu.memory_space<semaphore_mem>>
        %dma_start3A_607 = tpu.memref_squeeze %dma_start3A_606 : memref<1x!tpu.dma_semaphore, #tpu.memory_space<semaphore_mem>> -> memref<!tpu.dma_semaphore, #tpu.memory_space<semaphore_mem>>
        %dma_start3A_608 = arith.constant 0 : i32
        %dma_start3A_609 = tpu.memref_slice %arg3[%dma_start3A_608, %multiple_of3A_602] : memref<64x1000000xf32, #tpu.memory_space<hbm>> -> memref<64x128xf32, #tpu.memory_space<hbm>>
        tpu.enqueue_dma source(%dma_start3A_609 : memref<64x128xf32, #tpu.memory_space<hbm>>) target(%arg9 : memref<64x128xf32, #tpu.memory_space<vmem>>) target_semaphore(%dma_start3A_607 : memref<!tpu.dma_semaphore, #tpu.memory_space<semaphore_mem>>)
      } else {
      }
      %mul3A_396 = arith.constant 8 : i32
      %mul3A_397 = arith.muli %scan3A_217, %mul3A_396 : i32
      %add3A_398 = arith.constant 4 : i32
      %add3A_399 = arith.addi %mul3A_397, %add3A_398 : i32
      %dma_wait3A_400 = arith.constant 4 : i32
      %dma_wait3A_401 = arith.constant 0 : i32
      %dma_wait3A_402 = arith.constant 0 : i32
      %dma_wait3A_403 = tpu.memref_slice %arg3[%dma_wait3A_401, %dma_wait3A_402] : memref<64x1000000xf32, #tpu.memory_space<hbm>> -> memref<64x128xf32, #tpu.memory_space<hbm>>
      %dma_wait3A_404 = tpu.memref_slice %arg15[%dma_wait3A_400] : memref<8x!tpu.dma_semaphore, #tpu.memory_space<semaphore_mem>> -> memref<1x!tpu.dma_semaphore, #tpu.memory_space<semaphore_mem>>
      %dma_wait3A_405 = tpu.memref_squeeze %dma_wait3A_404 : memref<1x!tpu.dma_semaphore, #tpu.memory_space<semaphore_mem>> -> memref<!tpu.dma_semaphore, #tpu.memory_space<semaphore_mem>>
      %dma_wait3A_406 = arith.constant 0 : i32
      %dma_wait3A_407 = arith.constant 0 : i32
      %dma_wait3A_408 = tpu.memref_slice %arg3[%dma_wait3A_406, %dma_wait3A_407] : memref<64x1000000xf32, #tpu.memory_space<hbm>> -> memref<64x128xf32, #tpu.memory_space<hbm>>
      tpu.wait_dma2 semaphore(%dma_wait3A_405 : memref<!tpu.dma_semaphore, #tpu.memory_space<semaphore_mem>>) src(%dma_wait3A_408 : memref<64x128xf32, #tpu.memory_space<hbm>>) dst(%arg10 : memref<64x128xf32, #tpu.memory_space<vmem>>)
      %shift_right_arithmetic3A_409 = arith.constant 4 : i32
      %shift_right_arithmetic3A_410 = arith.shrsi %add3A_399, %shift_right_arithmetic3A_409 : i32
      %shift_left3A_411 = arith.constant 4 : i32
      %shift_left3A_412 = arith.shli %shift_right_arithmetic3A_410, %shift_left3A_411 : i32
      %multiple_of3A_413 = tpu.assume_multiple %shift_left3A_412, 16 : i32
      %get3A_414 = arith.index_cast %multiple_of3A_413 : i32 to index
      %get3A_415 = tpu.vector_load %arg5[%get3A_414] {strides = array<i32>} : memref<512xi32, #tpu.memory_space<vmem>>, vector<16xi32>,
      %and3A_416 = arith.constant 15 : i32
      %and3A_417 = arith.andi %add3A_399, %and3A_416 : i32
      %eq3A_418 = vector.broadcast %and3A_417 : i32 to vector<16xi32>
      %eq3A_419 = arith.cmpi eq, %iota3A, %eq3A_418 : vector<16xi32>
      %jit3A_420 = arith.constant 0 : i32
      %broadcast_in_dim3A_421 = vector.broadcast %jit3A_420 : i32 to vector<16xi32>
      %select_n3A_422 = arith.select %eq3A_419, %get3A_415, %broadcast_in_dim3A_421 : vector<16xi1>, vector<16xi32>
      %reduce_sum3A_423 = arith.constant true
      %reduce_sum3A_424 = vector.broadcast %reduce_sum3A_423 : i1 to vector<16xi1>
      %reduce_sum3A_425 = tpu.scan <sum>, %select_n3A_422 masked %reduce_sum3A_424 : vector<16xi32>, vector<16xi1> -> vector<16xi32>
      %reduce_sum3A_426 = vector.extract %reduce_sum3A_425[15] : i32 from vector<16xi32>
      %and3A_427 = arith.constant 127 : i32
      %and3A_428 = arith.andi %reduce_sum3A_426, %and3A_427 : i32
      %broadcast_in_dim3A_429 = vector.broadcast %and3A_428 : i32 to vector<16xi32>
      %broadcast_in_dim3A_430 = vector.broadcast %add3A_399 : i32 to vector<16xi32>
      %gather3A_431 = tpu.vector_load_idx %arg10[%add3A_5, %broadcast_in_dim3A_429] : memref<64x128xf32, #tpu.memory_space<vmem>>[vector<16xi32>, vector<16xi32>], vector<16xf32>,
      tpu.vector_store_idx %arg14[%add3A_5, %broadcast_in_dim3A_430], %gather3A_431 : memref<64x512xf32, #tpu.memory_space<vmem>>[vector<16xi32>, vector<16xi32>], vector<16xf32>,
      %gather3A_432 = tpu.vector_load_idx %arg10[%add3A_8, %broadcast_in_dim3A_429] : memref<64x128xf32, #tpu.memory_space<vmem>>[vector<16xi32>, vector<16xi32>], vector<16xf32>,
      tpu.vector_store_idx %arg14[%add3A_8, %broadcast_in_dim3A_430], %gather3A_432 : memref<64x512xf32, #tpu.memory_space<vmem>>[vector<16xi32>, vector<16xi32>], vector<16xf32>,
      %gather3A_433 = tpu.vector_load_idx %arg10[%add3A_11, %broadcast_in_dim3A_429] : memref<64x128xf32, #tpu.memory_space<vmem>>[vector<16xi32>, vector<16xi32>], vector<16xf32>,
      tpu.vector_store_idx %arg14[%add3A_11, %broadcast_in_dim3A_430], %gather3A_433 : memref<64x512xf32, #tpu.memory_space<vmem>>[vector<16xi32>, vector<16xi32>], vector<16xf32>,
      %gather3A_434 = tpu.vector_load_idx %arg10[%add3A_14, %broadcast_in_dim3A_429] : memref<64x128xf32, #tpu.memory_space<vmem>>[vector<16xi32>, vector<16xi32>], vector<16xf32>,
      tpu.vector_store_idx %arg14[%add3A_14, %broadcast_in_dim3A_430], %gather3A_434 : memref<64x512xf32, #tpu.memory_space<vmem>>[vector<16xi32>, vector<16xi32>], vector<16xf32>,
      %add3A_435 = arith.constant 8 : i32
      %add3A_436 = arith.addi %add3A_399, %add3A_435 : i32
      %lt3A_437 = arith.constant 512 : i32
      %lt3A_438 = arith.cmpi slt, %add3A_436, %lt3A_437 : i32
      %convert_element_type3A_439 = arith.extui %lt3A_438 : i1 to i32
      %cond3A_440 = arith.constant 0 : i32
      %cond3A_441 = arith.cmpi ne, %convert_element_type3A_439, %cond3A_440 : i32
      scf.if %cond3A_441 {
        %shift_right_arithmetic3A_580 = arith.constant 4 : i32
        %shift_right_arithmetic3A_581 = arith.shrsi %add3A_436, %shift_right_arithmetic3A_580 : i32
        %shift_left3A_582 = arith.constant 4 : i32
        %shift_left3A_583 = arith.shli %shift_right_arithmetic3A_581, %shift_left3A_582 : i32
        %multiple_of3A_584 = tpu.assume_multiple %shift_left3A_583, 16 : i32
        %get3A_585 = arith.index_cast %multiple_of3A_584 : i32 to index
        %get3A_586 = tpu.vector_load %arg5[%get3A_585] {strides = array<i32>} : memref<512xi32, #tpu.memory_space<vmem>>, vector<16xi32>,
        %and3A_587 = arith.constant 15 : i32
        %and3A_588 = arith.andi %add3A_436, %and3A_587 : i32
        %eq3A_589 = vector.broadcast %and3A_588 : i32 to vector<16xi32>
        %eq3A_590 = arith.cmpi eq, %iota3A, %eq3A_589 : vector<16xi32>
        %jit3A_591 = arith.constant 0 : i32
        %broadcast_in_dim3A_592 = vector.broadcast %jit3A_591 : i32 to vector<16xi32>
        %select_n3A_593 = arith.select %eq3A_590, %get3A_586, %broadcast_in_dim3A_592 : vector<16xi1>, vector<16xi32>
        %reduce_sum3A_594 = arith.constant true
        %reduce_sum3A_595 = vector.broadcast %reduce_sum3A_594 : i1 to vector<16xi1>
        %reduce_sum3A_596 = tpu.scan <sum>, %select_n3A_593 masked %reduce_sum3A_595 : vector<16xi32>, vector<16xi1> -> vector<16xi32>
        %reduce_sum3A_597 = vector.extract %reduce_sum3A_596[15] : i32 from vector<16xi32>
        %shift_right_arithmetic3A_598 = arith.constant 7 : i32
        %shift_right_arithmetic3A_599 = arith.shrsi %reduce_sum3A_597, %shift_right_arithmetic3A_598 : i32
        %shift_left3A_600 = arith.constant 7 : i32
        %shift_left3A_601 = arith.shli %shift_right_arithmetic3A_599, %shift_left3A_600 : i32
        %multiple_of3A_602 = tpu.assume_multiple %shift_left3A_601, 128 : i32
        %dma_start3A_603 = arith.constant 4 : i32
        %dma_start3A_604 = arith.constant 0 : i32
        %dma_start3A_605 = tpu.memref_slice %arg3[%dma_start3A_604, %multiple_of3A_602] : memref<64x1000000xf32, #tpu.memory_space<hbm>> -> memref<64x128xf32, #tpu.memory_space<hbm>>
        %dma_start3A_606 = tpu.memref_slice %arg15[%dma_start3A_603] : memref<8x!tpu.dma_semaphore, #tpu.memory_space<semaphore_mem>> -> memref<1x!tpu.dma_semaphore, #tpu.memory_space<semaphore_mem>>
        %dma_start3A_607 = tpu.memref_squeeze %dma_start3A_606 : memref<1x!tpu.dma_semaphore, #tpu.memory_space<semaphore_mem>> -> memref<!tpu.dma_semaphore, #tpu.memory_space<semaphore_mem>>
        %dma_start3A_608 = arith.constant 0 : i32
        %dma_start3A_609 = tpu.memref_slice %arg3[%dma_start3A_608, %multiple_of3A_602] : memref<64x1000000xf32, #tpu.memory_space<hbm>> -> memref<64x128xf32, #tpu.memory_space<hbm>>
        tpu.enqueue_dma source(%dma_start3A_609 : memref<64x128xf32, #tpu.memory_space<hbm>>) target(%arg10 : memref<64x128xf32, #tpu.memory_space<vmem>>) target_semaphore(%dma_start3A_607 : memref<!tpu.dma_semaphore, #tpu.memory_space<semaphore_mem>>)
      } else {
      }
      %mul3A_442 = arith.constant 8 : i32
      %mul3A_443 = arith.muli %scan3A_217, %mul3A_442 : i32
      %add3A_444 = arith.constant 5 : i32
      %add3A_445 = arith.addi %mul3A_443, %add3A_444 : i32
      %dma_wait3A_446 = arith.constant 5 : i32
      %dma_wait3A_447 = arith.constant 0 : i32
      %dma_wait3A_448 = arith.constant 0 : i32
      %dma_wait3A_449 = tpu.memref_slice %arg3[%dma_wait3A_447, %dma_wait3A_448] : memref<64x1000000xf32, #tpu.memory_space<hbm>> -> memref<64x128xf32, #tpu.memory_space<hbm>>
      %dma_wait3A_450 = tpu.memref_slice %arg15[%dma_wait3A_446] : memref<8x!tpu.dma_semaphore, #tpu.memory_space<semaphore_mem>> -> memref<1x!tpu.dma_semaphore, #tpu.memory_space<semaphore_mem>>
      %dma_wait3A_451 = tpu.memref_squeeze %dma_wait3A_450 : memref<1x!tpu.dma_semaphore, #tpu.memory_space<semaphore_mem>> -> memref<!tpu.dma_semaphore, #tpu.memory_space<semaphore_mem>>
      %dma_wait3A_452 = arith.constant 0 : i32
      %dma_wait3A_453 = arith.constant 0 : i32
      %dma_wait3A_454 = tpu.memref_slice %arg3[%dma_wait3A_452, %dma_wait3A_453] : memref<64x1000000xf32, #tpu.memory_space<hbm>> -> memref<64x128xf32, #tpu.memory_space<hbm>>
      tpu.wait_dma2 semaphore(%dma_wait3A_451 : memref<!tpu.dma_semaphore, #tpu.memory_space<semaphore_mem>>) src(%dma_wait3A_454 : memref<64x128xf32, #tpu.memory_space<hbm>>) dst(%arg11 : memref<64x128xf32, #tpu.memory_space<vmem>>)
      %shift_right_arithmetic3A_455 = arith.constant 4 : i32
      %shift_right_arithmetic3A_456 = arith.shrsi %add3A_445, %shift_right_arithmetic3A_455 : i32
      %shift_left3A_457 = arith.constant 4 : i32
      %shift_left3A_458 = arith.shli %shift_right_arithmetic3A_456, %shift_left3A_457 : i32
      %multiple_of3A_459 = tpu.assume_multiple %shift_left3A_458, 16 : i32
      %get3A_460 = arith.index_cast %multiple_of3A_459 : i32 to index
      %get3A_461 = tpu.vector_load %arg5[%get3A_460] {strides = array<i32>} : memref<512xi32, #tpu.memory_space<vmem>>, vector<16xi32>,
      %and3A_462 = arith.constant 15 : i32
      %and3A_463 = arith.andi %add3A_445, %and3A_462 : i32
      %eq3A_464 = vector.broadcast %and3A_463 : i32 to vector<16xi32>
      %eq3A_465 = arith.cmpi eq, %iota3A, %eq3A_464 : vector<16xi32>
      %jit3A_466 = arith.constant 0 : i32
      %broadcast_in_dim3A_467 = vector.broadcast %jit3A_466 : i32 to vector<16xi32>
      %select_n3A_468 = arith.select %eq3A_465, %get3A_461, %broadcast_in_dim3A_467 : vector<16xi1>, vector<16xi32>
      %reduce_sum3A_469 = arith.constant true
      %reduce_sum3A_470 = vector.broadcast %reduce_sum3A_469 : i1 to vector<16xi1>
      %reduce_sum3A_471 = tpu.scan <sum>, %select_n3A_468 masked %reduce_sum3A_470 : vector<16xi32>, vector<16xi1> -> vector<16xi32>
      %reduce_sum3A_472 = vector.extract %reduce_sum3A_471[15] : i32 from vector<16xi32>
      %and3A_473 = arith.constant 127 : i32
      %and3A_474 = arith.andi %reduce_sum3A_472, %and3A_473 : i32
      %broadcast_in_dim3A_475 = vector.broadcast %and3A_474 : i32 to vector<16xi32>
      %broadcast_in_dim3A_476 = vector.broadcast %add3A_445 : i32 to vector<16xi32>
      %gather3A_477 = tpu.vector_load_idx %arg11[%add3A_5, %broadcast_in_dim3A_475] : memref<64x128xf32, #tpu.memory_space<vmem>>[vector<16xi32>, vector<16xi32>], vector<16xf32>,
      tpu.vector_store_idx %arg14[%add3A_5, %broadcast_in_dim3A_476], %gather3A_477 : memref<64x512xf32, #tpu.memory_space<vmem>>[vector<16xi32>, vector<16xi32>], vector<16xf32>,
      %gather3A_478 = tpu.vector_load_idx %arg11[%add3A_8, %broadcast_in_dim3A_475] : memref<64x128xf32, #tpu.memory_space<vmem>>[vector<16xi32>, vector<16xi32>], vector<16xf32>,
      tpu.vector_store_idx %arg14[%add3A_8, %broadcast_in_dim3A_476], %gather3A_478 : memref<64x512xf32, #tpu.memory_space<vmem>>[vector<16xi32>, vector<16xi32>], vector<16xf32>,
      %gather3A_479 = tpu.vector_load_idx %arg11[%add3A_11, %broadcast_in_dim3A_475] : memref<64x128xf32, #tpu.memory_space<vmem>>[vector<16xi32>, vector<16xi32>], vector<16xf32>,
      tpu.vector_store_idx %arg14[%add3A_11, %broadcast_in_dim3A_476], %gather3A_479 : memref<64x512xf32, #tpu.memory_space<vmem>>[vector<16xi32>, vector<16xi32>], vector<16xf32>,
      %gather3A_480 = tpu.vector_load_idx %arg11[%add3A_14, %broadcast_in_dim3A_475] : memref<64x128xf32, #tpu.memory_space<vmem>>[vector<16xi32>, vector<16xi32>], vector<16xf32>,
      tpu.vector_store_idx %arg14[%add3A_14, %broadcast_in_dim3A_476], %gather3A_480 : memref<64x512xf32, #tpu.memory_space<vmem>>[vector<16xi32>, vector<16xi32>], vector<16xf32>,
      %add3A_481 = arith.constant 8 : i32
      %add3A_482 = arith.addi %add3A_445, %add3A_481 : i32
      %lt3A_483 = arith.constant 512 : i32
      %lt3A_484 = arith.cmpi slt, %add3A_482, %lt3A_483 : i32
      %convert_element_type3A_485 = arith.extui %lt3A_484 : i1 to i32
      %cond3A_486 = arith.constant 0 : i32
      %cond3A_487 = arith.cmpi ne, %convert_element_type3A_485, %cond3A_486 : i32
      scf.if %cond3A_487 {
        %shift_right_arithmetic3A_580 = arith.constant 4 : i32
        %shift_right_arithmetic3A_581 = arith.shrsi %add3A_482, %shift_right_arithmetic3A_580 : i32
        %shift_left3A_582 = arith.constant 4 : i32
        %shift_left3A_583 = arith.shli %shift_right_arithmetic3A_581, %shift_left3A_582 : i32
        %multiple_of3A_584 = tpu.assume_multiple %shift_left3A_583, 16 : i32
        %get3A_585 = arith.index_cast %multiple_of3A_584 : i32 to index
        %get3A_586 = tpu.vector_load %arg5[%get3A_585] {strides = array<i32>} : memref<512xi32, #tpu.memory_space<vmem>>, vector<16xi32>,
        %and3A_587 = arith.constant 15 : i32
        %and3A_588 = arith.andi %add3A_482, %and3A_587 : i32
        %eq3A_589 = vector.broadcast %and3A_588 : i32 to vector<16xi32>
        %eq3A_590 = arith.cmpi eq, %iota3A, %eq3A_589 : vector<16xi32>
        %jit3A_591 = arith.constant 0 : i32
        %broadcast_in_dim3A_592 = vector.broadcast %jit3A_591 : i32 to vector<16xi32>
        %select_n3A_593 = arith.select %eq3A_590, %get3A_586, %broadcast_in_dim3A_592 : vector<16xi1>, vector<16xi32>
        %reduce_sum3A_594 = arith.constant true
        %reduce_sum3A_595 = vector.broadcast %reduce_sum3A_594 : i1 to vector<16xi1>
        %reduce_sum3A_596 = tpu.scan <sum>, %select_n3A_593 masked %reduce_sum3A_595 : vector<16xi32>, vector<16xi1> -> vector<16xi32>
        %reduce_sum3A_597 = vector.extract %reduce_sum3A_596[15] : i32 from vector<16xi32>
        %shift_right_arithmetic3A_598 = arith.constant 7 : i32
        %shift_right_arithmetic3A_599 = arith.shrsi %reduce_sum3A_597, %shift_right_arithmetic3A_598 : i32
        %shift_left3A_600 = arith.constant 7 : i32
        %shift_left3A_601 = arith.shli %shift_right_arithmetic3A_599, %shift_left3A_600 : i32
        %multiple_of3A_602 = tpu.assume_multiple %shift_left3A_601, 128 : i32
        %dma_start3A_603 = arith.constant 5 : i32
        %dma_start3A_604 = arith.constant 0 : i32
        %dma_start3A_605 = tpu.memref_slice %arg3[%dma_start3A_604, %multiple_of3A_602] : memref<64x1000000xf32, #tpu.memory_space<hbm>> -> memref<64x128xf32, #tpu.memory_space<hbm>>
        %dma_start3A_606 = tpu.memref_slice %arg15[%dma_start3A_603] : memref<8x!tpu.dma_semaphore, #tpu.memory_space<semaphore_mem>> -> memref<1x!tpu.dma_semaphore, #tpu.memory_space<semaphore_mem>>
        %dma_start3A_607 = tpu.memref_squeeze %dma_start3A_606 : memref<1x!tpu.dma_semaphore, #tpu.memory_space<semaphore_mem>> -> memref<!tpu.dma_semaphore, #tpu.memory_space<semaphore_mem>>
        %dma_start3A_608 = arith.constant 0 : i32
        %dma_start3A_609 = tpu.memref_slice %arg3[%dma_start3A_608, %multiple_of3A_602] : memref<64x1000000xf32, #tpu.memory_space<hbm>> -> memref<64x128xf32, #tpu.memory_space<hbm>>
        tpu.enqueue_dma source(%dma_start3A_609 : memref<64x128xf32, #tpu.memory_space<hbm>>) target(%arg11 : memref<64x128xf32, #tpu.memory_space<vmem>>) target_semaphore(%dma_start3A_607 : memref<!tpu.dma_semaphore, #tpu.memory_space<semaphore_mem>>)
      } else {
      }
      %mul3A_488 = arith.constant 8 : i32
      %mul3A_489 = arith.muli %scan3A_217, %mul3A_488 : i32
      %add3A_490 = arith.constant 6 : i32
      %add3A_491 = arith.addi %mul3A_489, %add3A_490 : i32
      %dma_wait3A_492 = arith.constant 6 : i32
      %dma_wait3A_493 = arith.constant 0 : i32
      %dma_wait3A_494 = arith.constant 0 : i32
      %dma_wait3A_495 = tpu.memref_slice %arg3[%dma_wait3A_493, %dma_wait3A_494] : memref<64x1000000xf32, #tpu.memory_space<hbm>> -> memref<64x128xf32, #tpu.memory_space<hbm>>
      %dma_wait3A_496 = tpu.memref_slice %arg15[%dma_wait3A_492] : memref<8x!tpu.dma_semaphore, #tpu.memory_space<semaphore_mem>> -> memref<1x!tpu.dma_semaphore, #tpu.memory_space<semaphore_mem>>
      %dma_wait3A_497 = tpu.memref_squeeze %dma_wait3A_496 : memref<1x!tpu.dma_semaphore, #tpu.memory_space<semaphore_mem>> -> memref<!tpu.dma_semaphore, #tpu.memory_space<semaphore_mem>>
      %dma_wait3A_498 = arith.constant 0 : i32
      %dma_wait3A_499 = arith.constant 0 : i32
      %dma_wait3A_500 = tpu.memref_slice %arg3[%dma_wait3A_498, %dma_wait3A_499] : memref<64x1000000xf32, #tpu.memory_space<hbm>> -> memref<64x128xf32, #tpu.memory_space<hbm>>
      tpu.wait_dma2 semaphore(%dma_wait3A_497 : memref<!tpu.dma_semaphore, #tpu.memory_space<semaphore_mem>>) src(%dma_wait3A_500 : memref<64x128xf32, #tpu.memory_space<hbm>>) dst(%arg12 : memref<64x128xf32, #tpu.memory_space<vmem>>)
      %shift_right_arithmetic3A_501 = arith.constant 4 : i32
      %shift_right_arithmetic3A_502 = arith.shrsi %add3A_491, %shift_right_arithmetic3A_501 : i32
      %shift_left3A_503 = arith.constant 4 : i32
      %shift_left3A_504 = arith.shli %shift_right_arithmetic3A_502, %shift_left3A_503 : i32
      %multiple_of3A_505 = tpu.assume_multiple %shift_left3A_504, 16 : i32
      %get3A_506 = arith.index_cast %multiple_of3A_505 : i32 to index
      %get3A_507 = tpu.vector_load %arg5[%get3A_506] {strides = array<i32>} : memref<512xi32, #tpu.memory_space<vmem>>, vector<16xi32>,
      %and3A_508 = arith.constant 15 : i32
      %and3A_509 = arith.andi %add3A_491, %and3A_508 : i32
      %eq3A_510 = vector.broadcast %and3A_509 : i32 to vector<16xi32>
      %eq3A_511 = arith.cmpi eq, %iota3A, %eq3A_510 : vector<16xi32>
      %jit3A_512 = arith.constant 0 : i32
      %broadcast_in_dim3A_513 = vector.broadcast %jit3A_512 : i32 to vector<16xi32>
      %select_n3A_514 = arith.select %eq3A_511, %get3A_507, %broadcast_in_dim3A_513 : vector<16xi1>, vector<16xi32>
      %reduce_sum3A_515 = arith.constant true
      %reduce_sum3A_516 = vector.broadcast %reduce_sum3A_515 : i1 to vector<16xi1>
      %reduce_sum3A_517 = tpu.scan <sum>, %select_n3A_514 masked %reduce_sum3A_516 : vector<16xi32>, vector<16xi1> -> vector<16xi32>
      %reduce_sum3A_518 = vector.extract %reduce_sum3A_517[15] : i32 from vector<16xi32>
      %and3A_519 = arith.constant 127 : i32
      %and3A_520 = arith.andi %reduce_sum3A_518, %and3A_519 : i32
      %broadcast_in_dim3A_521 = vector.broadcast %and3A_520 : i32 to vector<16xi32>
      %broadcast_in_dim3A_522 = vector.broadcast %add3A_491 : i32 to vector<16xi32>
      %gather3A_523 = tpu.vector_load_idx %arg12[%add3A_5, %broadcast_in_dim3A_521] : memref<64x128xf32, #tpu.memory_space<vmem>>[vector<16xi32>, vector<16xi32>], vector<16xf32>,
      tpu.vector_store_idx %arg14[%add3A_5, %broadcast_in_dim3A_522], %gather3A_523 : memref<64x512xf32, #tpu.memory_space<vmem>>[vector<16xi32>, vector<16xi32>], vector<16xf32>,
      %gather3A_524 = tpu.vector_load_idx %arg12[%add3A_8, %broadcast_in_dim3A_521] : memref<64x128xf32, #tpu.memory_space<vmem>>[vector<16xi32>, vector<16xi32>], vector<16xf32>,
      tpu.vector_store_idx %arg14[%add3A_8, %broadcast_in_dim3A_522], %gather3A_524 : memref<64x512xf32, #tpu.memory_space<vmem>>[vector<16xi32>, vector<16xi32>], vector<16xf32>,
      %gather3A_525 = tpu.vector_load_idx %arg12[%add3A_11, %broadcast_in_dim3A_521] : memref<64x128xf32, #tpu.memory_space<vmem>>[vector<16xi32>, vector<16xi32>], vector<16xf32>,
      tpu.vector_store_idx %arg14[%add3A_11, %broadcast_in_dim3A_522], %gather3A_525 : memref<64x512xf32, #tpu.memory_space<vmem>>[vector<16xi32>, vector<16xi32>], vector<16xf32>,
      %gather3A_526 = tpu.vector_load_idx %arg12[%add3A_14, %broadcast_in_dim3A_521] : memref<64x128xf32, #tpu.memory_space<vmem>>[vector<16xi32>, vector<16xi32>], vector<16xf32>,
      tpu.vector_store_idx %arg14[%add3A_14, %broadcast_in_dim3A_522], %gather3A_526 : memref<64x512xf32, #tpu.memory_space<vmem>>[vector<16xi32>, vector<16xi32>], vector<16xf32>,
      %add3A_527 = arith.constant 8 : i32
      %add3A_528 = arith.addi %add3A_491, %add3A_527 : i32
      %lt3A_529 = arith.constant 512 : i32
      %lt3A_530 = arith.cmpi slt, %add3A_528, %lt3A_529 : i32
      %convert_element_type3A_531 = arith.extui %lt3A_530 : i1 to i32
      %cond3A_532 = arith.constant 0 : i32
      %cond3A_533 = arith.cmpi ne, %convert_element_type3A_531, %cond3A_532 : i32
      scf.if %cond3A_533 {
        %shift_right_arithmetic3A_580 = arith.constant 4 : i32
        %shift_right_arithmetic3A_581 = arith.shrsi %add3A_528, %shift_right_arithmetic3A_580 : i32
        %shift_left3A_582 = arith.constant 4 : i32
        %shift_left3A_583 = arith.shli %shift_right_arithmetic3A_581, %shift_left3A_582 : i32
        %multiple_of3A_584 = tpu.assume_multiple %shift_left3A_583, 16 : i32
        %get3A_585 = arith.index_cast %multiple_of3A_584 : i32 to index
        %get3A_586 = tpu.vector_load %arg5[%get3A_585] {strides = array<i32>} : memref<512xi32, #tpu.memory_space<vmem>>, vector<16xi32>,
        %and3A_587 = arith.constant 15 : i32
        %and3A_588 = arith.andi %add3A_528, %and3A_587 : i32
        %eq3A_589 = vector.broadcast %and3A_588 : i32 to vector<16xi32>
        %eq3A_590 = arith.cmpi eq, %iota3A, %eq3A_589 : vector<16xi32>
        %jit3A_591 = arith.constant 0 : i32
        %broadcast_in_dim3A_592 = vector.broadcast %jit3A_591 : i32 to vector<16xi32>
        %select_n3A_593 = arith.select %eq3A_590, %get3A_586, %broadcast_in_dim3A_592 : vector<16xi1>, vector<16xi32>
        %reduce_sum3A_594 = arith.constant true
        %reduce_sum3A_595 = vector.broadcast %reduce_sum3A_594 : i1 to vector<16xi1>
        %reduce_sum3A_596 = tpu.scan <sum>, %select_n3A_593 masked %reduce_sum3A_595 : vector<16xi32>, vector<16xi1> -> vector<16xi32>
        %reduce_sum3A_597 = vector.extract %reduce_sum3A_596[15] : i32 from vector<16xi32>
        %shift_right_arithmetic3A_598 = arith.constant 7 : i32
        %shift_right_arithmetic3A_599 = arith.shrsi %reduce_sum3A_597, %shift_right_arithmetic3A_598 : i32
        %shift_left3A_600 = arith.constant 7 : i32
        %shift_left3A_601 = arith.shli %shift_right_arithmetic3A_599, %shift_left3A_600 : i32
        %multiple_of3A_602 = tpu.assume_multiple %shift_left3A_601, 128 : i32
        %dma_start3A_603 = arith.constant 6 : i32
        %dma_start3A_604 = arith.constant 0 : i32
        %dma_start3A_605 = tpu.memref_slice %arg3[%dma_start3A_604, %multiple_of3A_602] : memref<64x1000000xf32, #tpu.memory_space<hbm>> -> memref<64x128xf32, #tpu.memory_space<hbm>>
        %dma_start3A_606 = tpu.memref_slice %arg15[%dma_start3A_603] : memref<8x!tpu.dma_semaphore, #tpu.memory_space<semaphore_mem>> -> memref<1x!tpu.dma_semaphore, #tpu.memory_space<semaphore_mem>>
        %dma_start3A_607 = tpu.memref_squeeze %dma_start3A_606 : memref<1x!tpu.dma_semaphore, #tpu.memory_space<semaphore_mem>> -> memref<!tpu.dma_semaphore, #tpu.memory_space<semaphore_mem>>
        %dma_start3A_608 = arith.constant 0 : i32
        %dma_start3A_609 = tpu.memref_slice %arg3[%dma_start3A_608, %multiple_of3A_602] : memref<64x1000000xf32, #tpu.memory_space<hbm>> -> memref<64x128xf32, #tpu.memory_space<hbm>>
        tpu.enqueue_dma source(%dma_start3A_609 : memref<64x128xf32, #tpu.memory_space<hbm>>) target(%arg12 : memref<64x128xf32, #tpu.memory_space<vmem>>) target_semaphore(%dma_start3A_607 : memref<!tpu.dma_semaphore, #tpu.memory_space<semaphore_mem>>)
      } else {
      }
      %mul3A_534 = arith.constant 8 : i32
      %mul3A_535 = arith.muli %scan3A_217, %mul3A_534 : i32
      %add3A_536 = arith.constant 7 : i32
      %add3A_537 = arith.addi %mul3A_535, %add3A_536 : i32
      %dma_wait3A_538 = arith.constant 7 : i32
      %dma_wait3A_539 = arith.constant 0 : i32
      %dma_wait3A_540 = arith.constant 0 : i32
      %dma_wait3A_541 = tpu.memref_slice %arg3[%dma_wait3A_539, %dma_wait3A_540] : memref<64x1000000xf32, #tpu.memory_space<hbm>> -> memref<64x128xf32, #tpu.memory_space<hbm>>
      %dma_wait3A_542 = tpu.memref_slice %arg15[%dma_wait3A_538] : memref<8x!tpu.dma_semaphore, #tpu.memory_space<semaphore_mem>> -> memref<1x!tpu.dma_semaphore, #tpu.memory_space<semaphore_mem>>
      %dma_wait3A_543 = tpu.memref_squeeze %dma_wait3A_542 : memref<1x!tpu.dma_semaphore, #tpu.memory_space<semaphore_mem>> -> memref<!tpu.dma_semaphore, #tpu.memory_space<semaphore_mem>>
      %dma_wait3A_544 = arith.constant 0 : i32
      %dma_wait3A_545 = arith.constant 0 : i32
      %dma_wait3A_546 = tpu.memref_slice %arg3[%dma_wait3A_544, %dma_wait3A_545] : memref<64x1000000xf32, #tpu.memory_space<hbm>> -> memref<64x128xf32, #tpu.memory_space<hbm>>
      tpu.wait_dma2 semaphore(%dma_wait3A_543 : memref<!tpu.dma_semaphore, #tpu.memory_space<semaphore_mem>>) src(%dma_wait3A_546 : memref<64x128xf32, #tpu.memory_space<hbm>>) dst(%arg13 : memref<64x128xf32, #tpu.memory_space<vmem>>)
      %shift_right_arithmetic3A_547 = arith.constant 4 : i32
      %shift_right_arithmetic3A_548 = arith.shrsi %add3A_537, %shift_right_arithmetic3A_547 : i32
      %shift_left3A_549 = arith.constant 4 : i32
      %shift_left3A_550 = arith.shli %shift_right_arithmetic3A_548, %shift_left3A_549 : i32
      %multiple_of3A_551 = tpu.assume_multiple %shift_left3A_550, 16 : i32
      %get3A_552 = arith.index_cast %multiple_of3A_551 : i32 to index
      %get3A_553 = tpu.vector_load %arg5[%get3A_552] {strides = array<i32>} : memref<512xi32, #tpu.memory_space<vmem>>, vector<16xi32>,
      %and3A_554 = arith.constant 15 : i32
      %and3A_555 = arith.andi %add3A_537, %and3A_554 : i32
      %eq3A_556 = vector.broadcast %and3A_555 : i32 to vector<16xi32>
      %eq3A_557 = arith.cmpi eq, %iota3A, %eq3A_556 : vector<16xi32>
      %jit3A_558 = arith.constant 0 : i32
      %broadcast_in_dim3A_559 = vector.broadcast %jit3A_558 : i32 to vector<16xi32>
      %select_n3A_560 = arith.select %eq3A_557, %get3A_553, %broadcast_in_dim3A_559 : vector<16xi1>, vector<16xi32>
      %reduce_sum3A_561 = arith.constant true
      %reduce_sum3A_562 = vector.broadcast %reduce_sum3A_561 : i1 to vector<16xi1>
      %reduce_sum3A_563 = tpu.scan <sum>, %select_n3A_560 masked %reduce_sum3A_562 : vector<16xi32>, vector<16xi1> -> vector<16xi32>
      %reduce_sum3A_564 = vector.extract %reduce_sum3A_563[15] : i32 from vector<16xi32>
      %and3A_565 = arith.constant 127 : i32
      %and3A_566 = arith.andi %reduce_sum3A_564, %and3A_565 : i32
      %broadcast_in_dim3A_567 = vector.broadcast %and3A_566 : i32 to vector<16xi32>
      %broadcast_in_dim3A_568 = vector.broadcast %add3A_537 : i32 to vector<16xi32>
      %gather3A_569 = tpu.vector_load_idx %arg13[%add3A_5, %broadcast_in_dim3A_567] : memref<64x128xf32, #tpu.memory_space<vmem>>[vector<16xi32>, vector<16xi32>], vector<16xf32>,
      tpu.vector_store_idx %arg14[%add3A_5, %broadcast_in_dim3A_568], %gather3A_569 : memref<64x512xf32, #tpu.memory_space<vmem>>[vector<16xi32>, vector<16xi32>], vector<16xf32>,
      %gather3A_570 = tpu.vector_load_idx %arg13[%add3A_8, %broadcast_in_dim3A_567] : memref<64x128xf32, #tpu.memory_space<vmem>>[vector<16xi32>, vector<16xi32>], vector<16xf32>,
      tpu.vector_store_idx %arg14[%add3A_8, %broadcast_in_dim3A_568], %gather3A_570 : memref<64x512xf32, #tpu.memory_space<vmem>>[vector<16xi32>, vector<16xi32>], vector<16xf32>,
      %gather3A_571 = tpu.vector_load_idx %arg13[%add3A_11, %broadcast_in_dim3A_567] : memref<64x128xf32, #tpu.memory_space<vmem>>[vector<16xi32>, vector<16xi32>], vector<16xf32>,
      tpu.vector_store_idx %arg14[%add3A_11, %broadcast_in_dim3A_568], %gather3A_571 : memref<64x512xf32, #tpu.memory_space<vmem>>[vector<16xi32>, vector<16xi32>], vector<16xf32>,
      %gather3A_572 = tpu.vector_load_idx %arg13[%add3A_14, %broadcast_in_dim3A_567] : memref<64x128xf32, #tpu.memory_space<vmem>>[vector<16xi32>, vector<16xi32>], vector<16xf32>,
      tpu.vector_store_idx %arg14[%add3A_14, %broadcast_in_dim3A_568], %gather3A_572 : memref<64x512xf32, #tpu.memory_space<vmem>>[vector<16xi32>, vector<16xi32>], vector<16xf32>,
      %add3A_573 = arith.constant 8 : i32
      %add3A_574 = arith.addi %add3A_537, %add3A_573 : i32
      %lt3A_575 = arith.constant 512 : i32
      %lt3A_576 = arith.cmpi slt, %add3A_574, %lt3A_575 : i32
      %convert_element_type3A_577 = arith.extui %lt3A_576 : i1 to i32
      %cond3A_578 = arith.constant 0 : i32
      %cond3A_579 = arith.cmpi ne, %convert_element_type3A_577, %cond3A_578 : i32
      scf.if %cond3A_579 {
        %shift_right_arithmetic3A_580 = arith.constant 4 : i32
        %shift_right_arithmetic3A_581 = arith.shrsi %add3A_574, %shift_right_arithmetic3A_580 : i32
        %shift_left3A_582 = arith.constant 4 : i32
        %shift_left3A_583 = arith.shli %shift_right_arithmetic3A_581, %shift_left3A_582 : i32
        %multiple_of3A_584 = tpu.assume_multiple %shift_left3A_583, 16 : i32
        %get3A_585 = arith.index_cast %multiple_of3A_584 : i32 to index
        %get3A_586 = tpu.vector_load %arg5[%get3A_585] {strides = array<i32>} : memref<512xi32, #tpu.memory_space<vmem>>, vector<16xi32>,
        %and3A_587 = arith.constant 15 : i32
        %and3A_588 = arith.andi %add3A_574, %and3A_587 : i32
        %eq3A_589 = vector.broadcast %and3A_588 : i32 to vector<16xi32>
        %eq3A_590 = arith.cmpi eq, %iota3A, %eq3A_589 : vector<16xi32>
        %jit3A_591 = arith.constant 0 : i32
        %broadcast_in_dim3A_592 = vector.broadcast %jit3A_591 : i32 to vector<16xi32>
        %select_n3A_593 = arith.select %eq3A_590, %get3A_586, %broadcast_in_dim3A_592 : vector<16xi1>, vector<16xi32>
        %reduce_sum3A_594 = arith.constant true
        %reduce_sum3A_595 = vector.broadcast %reduce_sum3A_594 : i1 to vector<16xi1>
        %reduce_sum3A_596 = tpu.scan <sum>, %select_n3A_593 masked %reduce_sum3A_595 : vector<16xi32>, vector<16xi1> -> vector<16xi32>
        %reduce_sum3A_597 = vector.extract %reduce_sum3A_596[15] : i32 from vector<16xi32>
        %shift_right_arithmetic3A_598 = arith.constant 7 : i32
        %shift_right_arithmetic3A_599 = arith.shrsi %reduce_sum3A_597, %shift_right_arithmetic3A_598 : i32
        %shift_left3A_600 = arith.constant 7 : i32
        %shift_left3A_601 = arith.shli %shift_right_arithmetic3A_599, %shift_left3A_600 : i32
        %multiple_of3A_602 = tpu.assume_multiple %shift_left3A_601, 128 : i32
        %dma_start3A_603 = arith.constant 7 : i32
        %dma_start3A_604 = arith.constant 0 : i32
        %dma_start3A_605 = tpu.memref_slice %arg3[%dma_start3A_604, %multiple_of3A_602] : memref<64x1000000xf32, #tpu.memory_space<hbm>> -> memref<64x128xf32, #tpu.memory_space<hbm>>
        %dma_start3A_606 = tpu.memref_slice %arg15[%dma_start3A_603] : memref<8x!tpu.dma_semaphore, #tpu.memory_space<semaphore_mem>> -> memref<1x!tpu.dma_semaphore, #tpu.memory_space<semaphore_mem>>
        %dma_start3A_607 = tpu.memref_squeeze %dma_start3A_606 : memref<1x!tpu.dma_semaphore, #tpu.memory_space<semaphore_mem>> -> memref<!tpu.dma_semaphore, #tpu.memory_space<semaphore_mem>>
        %dma_start3A_608 = arith.constant 0 : i32
        %dma_start3A_609 = tpu.memref_slice %arg3[%dma_start3A_608, %multiple_of3A_602] : memref<64x1000000xf32, #tpu.memory_space<hbm>> -> memref<64x128xf32, #tpu.memory_space<hbm>>
        tpu.enqueue_dma source(%dma_start3A_609 : memref<64x128xf32, #tpu.memory_space<hbm>>) target(%arg13 : memref<64x128xf32, #tpu.memory_space<vmem>>) target_semaphore(%dma_start3A_607 : memref<!tpu.dma_semaphore, #tpu.memory_space<semaphore_mem>>)
      } else {
      }
    }
    %scan3A_216 = arith.constant 64 : i32
    "tpu.region"() ({
      %run_scoped3A = tpu.sem_alloc : memref<!tpu.dma_semaphore, #tpu.memory_space<semaphore_mem>>
      %dma_start3A_217 = arith.constant 0 : i32
      %dma_start3A_218 = tpu.memref_slice %arg4[%dma_start3A_217, %mul3A_2] : memref<64x16384xf32, #tpu.memory_space<hbm>> -> memref<64x512xf32, #tpu.memory_space<hbm>>
      %dma_start3A_219 = arith.constant 0 : i32
      %dma_start3A_220 = tpu.memref_slice %arg4[%dma_start3A_219, %mul3A_2] : memref<64x16384xf32, #tpu.memory_space<hbm>> -> memref<64x512xf32, #tpu.memory_space<hbm>>
      tpu.enqueue_dma source(%arg14 : memref<64x512xf32, #tpu.memory_space<vmem>>) target(%dma_start3A_220 : memref<64x512xf32, #tpu.memory_space<hbm>>) target_semaphore(%run_scoped3A : memref<!tpu.dma_semaphore, #tpu.memory_space<semaphore_mem>>)
      %dma_wait3A = arith.constant 0 : i32
      %dma_wait3A_221 = tpu.memref_slice %arg4[%dma_wait3A, %mul3A_2] : memref<64x16384xf32, #tpu.memory_space<hbm>> -> memref<64x512xf32, #tpu.memory_space<hbm>>
      %dma_wait3A_222 = arith.constant 0 : i32
      %dma_wait3A_223 = tpu.memref_slice %arg4[%dma_wait3A_222, %mul3A_2] : memref<64x16384xf32, #tpu.memory_space<hbm>> -> memref<64x512xf32, #tpu.memory_space<hbm>>
      tpu.wait_dma2 semaphore(%run_scoped3A : memref<!tpu.dma_semaphore, #tpu.memory_space<semaphore_mem>>) src(%arg14 : memref<64x512xf32, #tpu.memory_space<vmem>>) dst(%dma_wait3A_223 : memref<64x512xf32, #tpu.memory_space<hbm>>)
      tpu.yield
    }) : () -> ()
    return
  }
}

</mosaic_0001>

<sc_bundles>
// kernel: kernel.3.cloned.1.call-start
scs
__scs_entry_jumppad:
0x0: {  	(pc) =	sbr.rel $0x88, $3  }
0x1: {  	(tag) =	ssettag $0x0;
	lr =	simm.s32 $0x1  }
0x2: {  	[smem:$0x3F9F] =	sst lr;
	_ =	strace $0xD0000000  }
0x3: {  	_ = 	snop  }
0x4: {  	_ = 	snop  }
0x5: {  	_ = 	snop  }
0x6: {  	_ = 	snop  }
0x7: {  	_ = 	snop  }
__scs_overlays_trampoline_lowered:
0x8: {  	[smem:$0x3FAE] =	sst s0  }
0x9: {  	[smem:$0x3FAF] =	sst s1  }
0xa: {  	[smem:$0x3FB0] =	sst s2  }
0xb: {  	[smem:$0x3FB1] =	sst s3  }
0xc: {  	[smem:$0x3FB2] =	sst s4  }
0xd: {  	[smem:$0x3FB3] =	sst s5  }
0xe: {  	[smem:$0x3FB4] =	sst s6  }
0xf: {  	[smem:$0x3FB5] =	sst s7  }
0x10: {  	[smem:$0x3FB6] =	sst s8  }
0x11: {  	[smem:$0x3FB7] =	sst s9;
	s0 =	simm.s32 @!p0 $0x0  }
0x12: {  	s1 =	sld [smem:$0x3F9D];
	s0 =	simm.s32 @p0 $0x1  }
0x13: {  	[smem:$0x3FB8] =	sst s0;
	s0 =	simm.s32 @!p1 $0x0  }
0x14: {  	s2 =	sld [smem:$0x3F9C];
	s0 =	simm.s32 @p1 $0x1  }
0x15: {  	[smem:$0x3FB9] =	sst s0;
	s0 =	simm.s32 @!p2 $0x0  }
0x16: {  	s3 =	sld [smem:$0x3FDB];
	s0 =	simm.s32 @p2 $0x1  }
0x17: {  	s4 =	simm.s32 $0x1BF5;
	[smem:$0x3FBB] =	sst s0  }
0x18: {  	s0 =	sld [smem:$0x3F9E];
	_ =	swait.ge [sflag:s4], $0x0  }
0x19: {  	s7 =	sld [smem:$0x3F9F]  }
0x1a: {  	s8 =	sadd.s32 $0xFFFFE003, lr  }
0x1b: {  	s9 =	sadd.s32 $0xFFFFFEF7, lr;
	s5 =	simm.s32 $0xFFFFFFFF;
	p2 =	slt.u32 s8, $0xFFFFF086  }
0x1c: {  	p1 =	slt.u32 s9, $0xF7A;
	s5 =	simm.s32 @!p2 $0x0  }
0x1d: {  	s5 =	simm.s32 @p1 $0x1;
	p0 =	seq.s32 s7, s2  }
0x1e: {  	s7 =	smul.u32 @!p0 $0xF7A, s2;
	p2 =	seq.s32 @!p0 s5, $0x0  }
0x1f: {  	s9 =	smul.u32 $0xF7A, s1;
	s8 =	simm.s32 @!p0 $0x1BF5;
	p2 =	por !p2, p0  }
0x20: {  	[sflag:s8] =	ssyncset.s32 @!p0 $0xFFFFF086;
	s6 =	sadd.s32 @!p0 s3, s7;
	s7 =	simm.s32 @!p0 $0x108  }
0x21: {  	s3 =	sadd.s32 s3, s9;
	s6 =	sadd.s32 @!p0 $0x88, s6;
	s7 =	simm.s32 @p2 $0x1082  }
0x22: {  	[simem:s7], [sflag:s8] =	dma.local @!p0 [hbm:s6], $0xF7A  }
0x23: {  	s9 =	sor.u32 $0xD0000000, s2;
	s6 =	simm.s32 $0x108;
	_ =	swait.ge @!p0 [sflag:s8], $0x0  }
0x24: {  	s3 =	sadd.s32 $0x88, s3;
	s6 =	simm.s32 @!p1 $0x1082;
	[sflag:s4] =	ssyncset.s32 $0xFFFFF086  }
0x25: {  	[simem:s6], [sflag:s4] =	dma.local [hbm:s3], $0xF7A  }
0x26: {  	[smem:$0x3F9F] =	sst s1;
	(tag) =	ssettag s2;
	_ =	strace s9  }
0x27: {  	s1 =	sld [smem:$0x3FAF]  }
0x28: {  	s2 =	sld [smem:$0x3FB0]  }
0x29: {  	s4 =	sld [smem:$0x3FB2]  }
0x2a: {  	p0 =	seq.s32 s5, $0x0;
	s5 =	sld [smem:$0x3FB3]  }
0x2b: {  	s6 =	sld [smem:$0x3FB4]  }
0x2c: {  	s7 =	sld [smem:$0x3FB5]  }
0x2d: {  	s3 =	simm.s32 $0x108;
	s8 =	sld [smem:$0x3FB6]  }
0x2e: {  	s3 =	simm.s32 @!p0 $0x1082;
	s9 =	sld [smem:$0x3FB7]  }
0x2f: {  	lr =	sadd.s32 s0, s3;
	s0 =	sld [smem:$0x3FAE]  }
0x30: {  	s3 =	sld [smem:$0x3FB1]  }
0x31: {  	[smem:$0x3FBA] =	sst s10  }
0x32: {  	s10 =	sld [smem:$0x3FB8];
	_ =	sdelay $0x3  }
0x33: {  	p0 =	seq.s32 s10, $0x1;
	s10 =	sld [smem:$0x3FBA];
	_ =	sdelay $0x3  }
0x34: {  	[smem:$0x3FBA] =	sst s10  }
0x35: {  	s10 =	sld [smem:$0x3FB9];
	_ =	sdelay $0x3  }
0x36: {  	p1 =	seq.s32 s10, $0x1;
	s10 =	sld [smem:$0x3FBA];
	_ =	sdelay $0x3  }
0x37: {  	[smem:$0x3FBA] =	sst s10  }
0x38: {  	s10 =	sld [smem:$0x3FBB]  }
0x39: {  	_ = 	snop;
	(pc) =	sbr.ind lr, $3  }
0x3a: {  	_ = 	snop  }
0x3b: {  	_ = 	snop  }
0x3c: {  	p2 =	seq.s32 s10, $0x1;
	s10 =	sld [smem:$0x3FBA]  }
0x3d: {  	_ =	shalt  }
0x3e: {  	_ =	shalt  }
0x3f: {  	_ =	shalt  }
0x40: {  	_ =	shalt  }
0x41: {  	_ =	shalt  }
0x42: {  	_ =	shalt  }
0x43: {  	_ =	shalt  }
0x44: {  	_ =	shalt  }
0x45: {  	_ =	shalt  }
0x46: {  	_ =	shalt  }
0x47: {  	_ =	shalt  }
0x48: {  	_ =	shalt  }
0x49: {  	_ =	shalt  }
0x4a: {  	_ =	shalt  }
0x4b: {  	_ =	shalt  }
0x4c: {  	_ =	shalt  }
0x4d: {  	_ =	shalt  }
0x4e: {  	_ =	shalt  }
0x4f: {  	_ =	shalt  }
0x50: {  	_ =	shalt  }
0x51: {  	_ =	shalt  }
0x52: {  	_ =	shalt  }
0x53: {  	_ =	shalt  }
0x54: {  	_ =	shalt  }
0x55: {  	_ =	shalt  }
0x56: {  	_ =	shalt  }
0x57: {  	_ =	shalt  }
0x58: {  	_ =	shalt  }
0x59: {  	_ =	shalt  }
0x5a: {  	_ =	shalt  }
0x5b: {  	_ =	shalt  }
0x5c: {  	_ =	shalt  }
0x5d: {  	_ =	shalt  }
0x5e: {  	_ =	shalt  }
0x5f: {  	_ =	shalt  }
0x60: {  	_ =	shalt  }
0x61: {  	_ =	shalt  }
0x62: {  	_ =	shalt  }
0x63: {  	_ =	shalt  }
0x64: {  	_ =	shalt  }
0x65: {  	_ =	shalt  }
0x66: {  	_ =	shalt  }
0x67: {  	_ =	shalt  }
0x68: {  	_ =	shalt  }
0x69: {  	_ =	shalt  }
0x6a: {  	_ =	shalt  }
0x6b: {  	_ =	shalt  }
0x6c: {  	_ =	shalt  }
0x6d: {  	_ =	shalt  }
0x6e: {  	_ =	shalt  }
0x6f: {  	_ =	shalt  }
0x70: {  	_ =	shalt  }
0x71: {  	_ =	shalt  }
0x72: {  	_ =	shalt  }
0x73: {  	_ =	shalt  }
0x74: {  	_ =	shalt  }
0x75: {  	_ =	shalt  }
0x76: {  	_ =	shalt  }
0x77: {  	_ =	shalt  }
0x78: {  	_ =	shalt  }
0x79: {  	_ =	shalt  }
0x7a: {  	_ =	shalt  }
0x7b: {  	_ =	shalt  }
0x7c: {  	_ =	shalt  }
0x7d: {  	_ =	shalt  }
0x7e: {  	_ =	shalt  }
0x7f: {  	_ =	shalt  }
0x80: {  	_ =	shalt  }
0x81: {  	_ =	shalt  }
0x82: {  	_ =	shalt  }
0x83: {  	_ =	shalt  }
0x84: {  	_ =	shalt  }
0x85: {  	_ =	shalt  }
0x86: {  	_ =	shalt  }
0x87: {  	_ =	shalt  }
.Lfunc_end0:
.L_simem_size_0:
called_computation_lowered:
.L_overlay_start_0:
0x88: {  	s2 =	sld [smem:$0x3FD9]  }
0x89: {  	s3 =	sld [smem:$0x3FFE];
	_ =	sdelay $0x1  }
0x8a: {  	s1 =	srdreg.scid  }
0x8b: {  	s0 =	sand.u32 $0x1, s1  }
0x8c: {  	s18 =	sshll.u32 s0, $0xA;
	s2 =	sadd.s32 s3, s2  }
0x8d: {  	s2 =	sadd.s32 s2, s18  }
0x8e: {  	[smem:$0x3FC6] =	sst s2  }
0x8f: {  	_ = 	snop  }
0x90: {  	s2 =	sld [smem:$0x3FC9]  }
0x91: {  	s19 =	sld [smem:$0x3FC8]  }
0x92: {  	s4 =	sld [smem:$0x3FD0];
	(tm) =	ssettm $0x1  }
0x93: {  	s5 =	sld [smem:$0x3FFB];
	_ =	sdelay $0x3  }
0x94: {  	_ =	strace s5  }
0x95: {  	s5 =	sld [smem:$0x3FFC];
	_ =	sdelay $0x3  }
0x96: {  	_ =	strace s5  }
0x97: {  	s5 =	sld [smem:$0x3FFD];
	_ =	sdelay $0x3  }
0x98: {  	_ =	strace s5  }
0x99: {  	_ =	strace $0x8FFFFFFF  }
0x9a: {  	s20 =	sld [smem:$0x3FDB];
	_ =	sdelay $0x1  }
0x9b: {  	s6 =	simm.s32 $_scs_section_size  }
0x9c: {  	s7 =	simm.s32 $_size__tile_overlayer_lowered;
	s8 =	simm.s32 $_tile_overlayer_lowered  }
0x9d: {  	s23 =	simm.s32 $0x1BFF;
	s22 =	sshll.u32 s8, $0x1;
	s5 =	sadd.s32 s6, s20  }
0x9e: {  	s9 =	simm.s32 $0x0;
	s21 =	sshll.u32 s7, $0x1;
	s7 =	sadd.s32 s22, s5  }
0x9f: {  	[timem:s9], [sflag:s23] =	dma.local [hbm:s7], s21  }
0xa0: {  	_ =	swait.ge [sflag:s23], s21  }
0xa1: {  	s6 =	ssub.s32 $0x0, s21;
	[sflag:s23] =	ssyncset.done $0x0  }
0xa2: {  	[sflag:s23] =	ssyncadd.s32 s6;
	_ =	sdelay $0x1  }
0xa3: {  	s24 =	simm.s32 $0x1B8B  }
0xa4: {  	_ =	swait.ge [sflag:s24], $0x1  }
0xa5: {  	[sflag:s24] =	ssyncset.done $0x0  }
0xa6: {  	s25 =	simm.s32 $0x1B8E;
	[sflag:s24] =	ssyncadd.s32 $0xFFFFFFFF  }
0xa7: {  	s26 =	simm.s32 $execute0_lowered;
	[smem:$0x3FD2] =	sst s25  }
0xa8: {  	s6 =	sshll.u32 s26, $0x1;
	_ =	strace $0x80000046;
	[dreg:$0x1] =	wrdreg $0xFFFFFFFF  }
0xa9: {  	s28 =	simm.s32 $_size_execute0_lowered;
	s5 =	sadd.s32 s5, s6;
	[dreg:$0x0] =	wrdreg $0x0  }
0xaa: {  	s6 =	sshll.u32 s28, $0x1;
	[dreg:$0x2] =	wrdreg s5  }
0xab: {  	[dreg:$0x3] =	wrdreg s6  }
0xac: {  	[dreg:$0x4] =	wrdreg $0xC0  }
0xad: {  	_ =	task [dreg:s9], $0x5FFFF  }
0xae: {  	[dreg:$0x1] =	wrdreg $0xFFFFFFFF  }
0xaf: {  	[dreg:$0x0] =	wrdreg $0x60  }
0xb0: {  	[dreg:$0x2] =	wrdreg s2  }
0xb1: {  	[dreg:$0x3] =	wrdreg s19  }
0xb2: {  	[dreg:$0x4] =	wrdreg s4  }
0xb3: {  	[dreg:$0x5] =	wrdreg $0x9  }
0xb4: {  	_ =	task.clear_ibuf [dreg:s9], $0x6FFFF;
	_ =	strace $0x90000046  }
0xb5: {  	s29 =	simm.s32 $0x9;
	_ =	strace $0x80000048  }
0xb6: {  	_ =	swait.ge [sflag:s29], $0x1  }
0xb7: {  	[sflag:s29] =	ssyncadd.s32 $0xFFFFFFFF  }
0xb8: {  	_ =	strace $0x90000048  }
0xb9: {  	_ =	sfence  }
0xba: {  	s30 =	sld [smem:$0x0];
	_ =	sdelay $0x2  }
0xbb: {  	s31 =	sshll.u32 s1, $0xD;
	s1 =	sshrl.u32 s1, $0x2  }
0xbc: {  	s3 =	sand.u32 $0x4000, s31;
	s1 =	sadd.s32 s1, s30  }
0xbd: {  	s0 =	sor.u32 s3, s0;
	s1 =	sshll.u32 s1, $0x11  }
0xbe: {  	s0 =	sor.u32 s1, s0  }
0xbf: {  	s0 =	sadd.s32 $0x8F2B, s0  }
0xc0: {  	[sflag:s0] =	ssyncadd.remote.s32 $0x1  }
0xc1: {  	_ =	sfence.sel $0xFFFF  }
0xc2: {  	[dreg:$0x0] =	wrdreg $0xFFFFFFFF;
	(pc) =	sbr.abs _section_cstart, $3  }
0xc3: {  	[dreg:$0x1] =	wrdreg $0xFFFFFFFF  }
0xc4: {  	_ =	task.clear_ibuf [dreg:s9], $0x2FFFF;
	_ =	strace $0x9FFFFFFF  }
0xc5: {  	(tm) =	ssettm $0x7FFFFFFF  }
tec
execute0_lowered:
.L_overlay_start_1:
0x0: {  	(tag) =	ssettag $0x1  }
0x1: {  	v0 =	vimm.s32 $0x1380;
	vm1 =	vcmask $0x300  }
0x2: {  	vm2 =	vcmask $0x704;
	vm3 =	vcmask $0xB08;
	vm7 =	vcmask $0xF0C  }
0x3: {  	vm8 =	vcmask $0x1310;
	vm9 =	vcmask $0x1714;
	vm4 =	vcmask $0x1B18  }
0x4: {  	vm0 =	vmmov $0x1;
	v1 =	vimm.s32 $0x3380;
	v2 =	vimm.s32 $0x5380  }
0x5: {  	v3 =	vimm.s32 $0x7380;
	vm6 =	vcmask $0x1F1C;
	vm5 =	vcmask $0x2320  }
0x6: {  	v0 =	vsel vm1, $0x0, v0;
	v1 =	vsel vm1, $0x2000, v1;
	v2 =	vsel vm1, $0x4000, v2  }
0x7: {  	v3 =	vsel vm1, $0x6000, v3;
	vm1 =	vcmask $0x308;
	v0 =	vsel vm2, $0x80, v0  }
0x8: {  	v1 =	vsel vm2, $0x2080, v1;
	v2 =	vsel vm2, $0x4080, v2;
	v3 =	vsel vm2, $0x6080, v3  }
0x9: {  	vm2 =	vcmask $0x70C;
	v0 =	vsel vm3, $0x100, v0;
	v1 =	vsel vm3, $0x2100, v1  }
0xa: {  	v2 =	vsel vm3, $0x4100, v2;
	v3 =	vsel vm3, $0x6100, v3;
	vm3 =	vcmask $0xB10  }
0xb: {  	v0 =	vsel vm7, $0x180, v0;
	v1 =	vsel vm7, $0x2180, v1;
	v2 =	vsel vm7, $0x4180, v2  }
0xc: {  	v3 =	vsel vm7, $0x6180, v3;
	vm7 =	vcmask $0x2724;
	v0 =	vsel vm8, $0x200, v0  }
0xd: {  	v1 =	vsel vm8, $0x2200, v1;
	v2 =	vsel vm8, $0x4200, v2;
	v3 =	vsel vm8, $0x6200, v3  }
0xe: {  	vm8 =	vcmask $0x2B28;
	v0 =	vsel vm9, $0x280, v0;
	v1 =	vsel vm9, $0x2280, v1  }
0xf: {  	v2 =	vsel vm9, $0x4280, v2;
	v3 =	vsel vm9, $0x6280, v3;
	v0 =	vsel vm4, $0x300, v0  }
0x10: {  	s1 =	rddreg [dreg:$0x0];
	v1 =	vsel vm4, $0x2300, v1;
	v2 =	vsel vm4, $0x4300, v2;
	v3 =	vsel vm4, $0x6300, v3  }
0x11: {  	s0 =	rddreg [dreg:$0x1];
	vm4 =	vcmask $0xF14;
	v0 =	vsel vm6, $0x380, v0;
	v1 =	vsel vm6, $0x2380, v1  }
0x12: {  	s2 =	rddreg [dreg:$0x2];
	v2 =	vsel vm6, $0x4380, v2;
	v3 =	vsel vm6, $0x6380, v3;
	vm6 =	vcmask $0x2F2C  }
0x13: {  	s3 =	srdreg.scid;
	s4 =	stileid.u32;
	v0 =	vsel vm5, $0x1000, v0;
	v1 =	vsel vm5, $0x3000, v1;
	v2 =	vsel vm5, $0x5000, v2  }
0x14: {  	s6 =	simm.s32 $0x0;
	s7 =	simm.s32 $0x9;
	s8 =	simm.s32 $0x7A1400;
	v3 =	vsel vm5, $0x7000, v3;
	vm5 =	vcmask $0x1318;
	v0 =	vsel vm7, $0x1080, v0  }
0x15: {  	s9 =	simm.s32 $0x400;
	s10 =	simm.s32 $0x200;
	s11 =	simm.s32 $0x2200;
	v1 =	vsel vm7, $0x3080, v1;
	v2 =	vsel vm7, $0x5080, v2;
	v3 =	vsel vm7, $0x7080, v3  }
0x16: {  	s12 =	simm.s32 $0x4200;
	s13 =	simm.s32 $0x6200;
	s14 =	simm.s32 $0x8200;
	vm7 =	vcmask $0x3330;
	v0 =	vsel vm8, $0x1100, v0;
	v1 =	vsel vm8, $0x3100, v1  }
0x17: {  	s15 =	simm.s32 $0xA200;
	s16 =	simm.s32 $0xC200;
	s17 =	simm.s32 $0xE200;
	v2 =	vsel vm8, $0x5100, v2;
	v3 =	vsel vm8, $0x7100, v3;
	v0 =	vsel vm6, $0x1180, v0  }
0x18: {  	s18 =	simm.s32 $0x1;
	s19 =	simm.s32 $0x10200;
	s20 =	simm.s32 $0x2;
	v1 =	vsel vm6, $0x3180, v1;
	v2 =	vsel vm6, $0x5180, v2;
	v3 =	vsel vm6, $0x7180, v3  }
0x19: {  	s21 =	simm.s32 $0x3;
	s22 =	simm.s32 $0x4;
	s23 =	simm.s32 $0x5;
	vm6 =	vcmask $0x171C;
	v4 =	vsel vm7, $0x1200, v0;
	v1 =	vsel vm7, $0x3200, v1  }
0x1a: {  	s24 =	simm.s32 $0x6;
	s25 =	simm.s32 $0x7;
	s26 =	simm.s32 $0x8;
	v2 =	vsel vm7, $0x5200, v2;
	v3 =	vsel vm7, $0x7200, v3;
	vm7 =	vcmask $0x3734  }
.Ltmp0:
0x1b: {  	s30 =	simm.s32 $0x0;
	s3 =	sand.u32 $0x1, s3;
	v0 =	vlaneseq.u32;
	v4 =	vsel vm7, $0x1280, v4;
	v5 =	vsel vm7, $0x3280, v1;
	(pc) =	sbr.rel .LBB2_1-.Ltmp0, $4  }
0x1c: {  	s4 =	sshll.u32 s4, $0xA;
	s5 =	sshll.u32 s3, $0x9;
	s3 =	ssub.s32 $0x2, s3;
	v6 =	vsel vm7, $0x5280, v2;
	v7 =	vsel vm7, $0x7280, v3;
	vm7 =	vcmask $0x3B38  }
0x1d: {  	[smem:$0x7FF] =	sst s6;
	s5 =	sor.u32 s5, s4;
	s29 =	sshrl.u32 s3, $0x1;
	v1 =	vmul.u32 $0x80, v0;
	v2 =	vsel vm7, $0x1300, v4;
	v3 =	vsel vm7, $0x3300, v5  }
0x1e: {  	_ =	strace $0x80000047;
	s31 =	sshrl.u32 s5, $0x3;
	s3 =	ssub.s32 s3, s29;
	v4 =	vsel vm7, $0x5300, v6;
	v5 =	vsel vm7, $0x7300, v7;
	vm7 =	vcmask $0x1B20  }
0x1f: {  	s5 =	sadd.s32 s2, s5;
	s4 =	sadd.s32 s1, s31;
	s6 =	smax.u32 s3, $0x1;
	v6 =	vor.u32 $0x800, v1;
	v7 =	vor.u32 $0x1000, v1;
	v8 =	vor.u32 $0x1800, v1  }
.LBB2_4:
0x20: {  	s30 =	sadd.s32 $0x1, s30  }
0x21: {  	p0 =	sne.s32 s30, s6  }
.Ltmp1:
0x22: {  	s1 =	simm.s32 $0x1000;
	s2 =	simm.s32 $0x20000;
	(pc) =	sbr.rel @!p0 .LBB2_5-.Ltmp1, $4  }
0x23: {  	[hbm4b:s5+s1] =	stream.strided.scatter [tilespmem:s19], [sflag:$0x9], $0x8000, s2, s1, $0x38;
	[tilespmem:$0x18200] =	vst v63  }
0x24: {  	_ =	swait.ge [sflag:s7], $0x8000  }
0x25: {  	[sflag:s7] =	ssyncset.done $0x0  }
0x26: {  	[sflag:s7] =	ssyncadd.s32 $0xFFFF8000  }
.LBB2_1:
0x27: {  	s1 =	simm.s32 $0x0  }
0x28: {  	[tilespmem:s1], [sflag:$0x9] =	stream.linear.gather [hbm4b:s4+s1], $0x200, $0x38;
	[tilespmem:$0x18200] =	vst v63  }
0x29: {  	_ =	swait.ge [sflag:s7], $0x200  }
0x2a: {  	[sflag:s7] =	ssyncset.done $0x0  }
0x2b: {  	[sflag:s7] =	ssyncadd.s32 $0xFFFFFE00  }
0x2c: {  	v9 =	vld [tilespmem:$0x0];
	_ =	sdelay $0x4  }
0x2d: {  	v9 =	vnsel vm0, $0x0, v9  }
0x2e: {  	(xrf0) =	vadd.scan.msk.s32 $0xffff, v9;
	_ =	sdelay $0x5  }
0x2f: {  	v9, _, _ =	vpop (xrf0)  }
0x30: {  	(v2sf) =	vpush v9, $0xF;
	_ =	sdelay $0xe  }
0x31: {  	s2 =	spop (v2sf)  }
0x32: {  	s1 =	sand.u32 $0xFFFFF80, s2  }
0x33: {  	s1 =	sadd.s32 s0, s1  }
0x34: {  	[tilespmem:s10], [sflag:$0x1] =	stream.strided.gather [hbm4b:s1+s9], $0x2000, s8, s9, $0x38;
	[tilespmem:$0x18200] =	vst v63  }
0x35: {  	v9 =	vld [tilespmem:$0x0];
	_ =	sdelay $0x4  }
0x36: {  	v9 =	vsel vm1, $0x0, v9  }
0x37: {  	(xrf0) =	vadd.scan.msk.s32 $0xffff, v9;
	_ =	sdelay $0x5  }
0x38: {  	v9, _, _ =	vpop (xrf0)  }
0x39: {  	(v2sf) =	vpush v9, $0xF;
	_ =	sdelay $0xe  }
0x3a: {  	s3 =	spop (v2sf)  }
0x3b: {  	s1 =	sand.u32 $0xFFFFF80, s3  }
0x3c: {  	s1 =	sadd.s32 s0, s1  }
0x3d: {  	[tilespmem:s11], [sflag:$0x2] =	stream.strided.gather [hbm4b:s1+s9], $0x2000, s8, s9, $0x38;
	[tilespmem:$0x18200] =	vst v63  }
0x3e: {  	v9 =	vld [tilespmem:$0x0];
	_ =	sdelay $0x4  }
0x3f: {  	v9 =	vsel vm2, $0x0, v9  }
0x40: {  	(xrf0) =	vadd.scan.msk.s32 $0xffff, v9;
	_ =	sdelay $0x5  }
0x41: {  	v9, _, _ =	vpop (xrf0)  }
0x42: {  	(v2sf) =	vpush v9, $0xF;
	_ =	sdelay $0xe  }
0x43: {  	s28 =	spop (v2sf)  }
0x44: {  	s1 =	sand.u32 $0xFFFFF80, s28  }
0x45: {  	s1 =	sadd.s32 s0, s1  }
0x46: {  	[tilespmem:s12], [sflag:$0x3] =	stream.strided.gather [hbm4b:s1+s9], $0x2000, s8, s9, $0x38;
	[tilespmem:$0x18200] =	vst v63  }
0x47: {  	v9 =	vld [tilespmem:$0x0];
	_ =	sdelay $0x4  }
0x48: {  	v9 =	vsel vm3, $0x0, v9  }
0x49: {  	(xrf0) =	vadd.scan.msk.s32 $0xffff, v9;
	_ =	sdelay $0x5  }
0x4a: {  	v9, _, _ =	vpop (xrf0)  }
0x4b: {  	(v2sf) =	vpush v9, $0xF;
	_ =	sdelay $0xe  }
0x4c: {  	s29 =	spop (v2sf)  }
0x4d: {  	s1 =	sand.u32 $0xFFFFF80, s29  }
0x4e: {  	s1 =	sadd.s32 s0, s1  }
0x4f: {  	[tilespmem:s13], [sflag:$0x4] =	stream.strided.gather [hbm4b:s1+s9], $0x2000, s8, s9, $0x38;
	[tilespmem:$0x18200] =	vst v63  }
0x50: {  	v9 =	vld [tilespmem:$0x0];
	_ =	sdelay $0x4  }
0x51: {  	v9 =	vsel vm4, $0x0, v9  }
0x52: {  	(xrf0) =	vadd.scan.msk.s32 $0xffff, v9;
	_ =	sdelay $0x5  }
0x53: {  	v9, _, _ =	vpop (xrf0)  }
0x54: {  	(v2sf) =	vpush v9, $0xF;
	_ =	sdelay $0xe  }
0x55: {  	s2 =	spop (v2sf)  }
0x56: {  	s1 =	sand.u32 $0xFFFFF80, s2  }
0x57: {  	s1 =	sadd.s32 s0, s1  }
0x58: {  	[tilespmem:s14], [sflag:$0x5] =	stream.strided.gather [hbm4b:s1+s9], $0x2000, s8, s9, $0x38;
	[tilespmem:$0x18200] =	vst v63  }
0x59: {  	v9 =	vld [tilespmem:$0x0];
	_ =	sdelay $0x4  }
0x5a: {  	v9 =	vsel vm5, $0x0, v9  }
0x5b: {  	(xrf0) =	vadd.scan.msk.s32 $0xffff, v9;
	_ =	sdelay $0x5  }
0x5c: {  	v9, _, _ =	vpop (xrf0)  }
0x5d: {  	(v2sf) =	vpush v9, $0xF;
	_ =	sdelay $0xe  }
0x5e: {  	s3 =	spop (v2sf)  }
0x5f: {  	s1 =	sand.u32 $0xFFFFF80, s3  }
0x60: {  	s1 =	sadd.s32 s0, s1  }
0x61: {  	[tilespmem:s15], [sflag:$0x6] =	stream.strided.gather [hbm4b:s1+s9], $0x2000, s8, s9, $0x38;
	[tilespmem:$0x18200] =	vst v63  }
0x62: {  	v9 =	vld [tilespmem:$0x0];
	_ =	sdelay $0x4  }
0x63: {  	v9 =	vsel vm6, $0x0, v9  }
0x64: {  	(xrf0) =	vadd.scan.msk.s32 $0xffff, v9;
	_ =	sdelay $0x5  }
0x65: {  	v9, _, _ =	vpop (xrf0)  }
0x66: {  	(v2sf) =	vpush v9, $0xF;
	_ =	sdelay $0xe  }
0x67: {  	s28 =	spop (v2sf)  }
0x68: {  	s1 =	sand.u32 $0xFFFFF80, s28  }
0x69: {  	s1 =	sadd.s32 s0, s1  }
0x6a: {  	[tilespmem:s16], [sflag:$0x7] =	stream.strided.gather [hbm4b:s1+s9], $0x2000, s8, s9, $0x38;
	[tilespmem:$0x18200] =	vst v63  }
0x6b: {  	v9 =	vld [tilespmem:$0x0];
	_ =	sdelay $0x4  }
0x6c: {  	v9 =	vsel vm7, $0x0, v9  }
0x6d: {  	(xrf0) =	vadd.scan.msk.s32 $0xffff, v9;
	_ =	sdelay $0x5  }
0x6e: {  	v9, _, _ =	vpop (xrf0)  }
0x6f: {  	(v2sf) =	vpush v9, $0xF;
	_ =	sdelay $0xe  }
0x70: {  	s29 =	spop (v2sf)  }
0x71: {  	s1 =	sand.u32 $0xFFFFF80, s29  }
0x72: {  	s31 =	simm.s32 $0x0;
	s1 =	sadd.s32 s0, s1  }
0x73: {  	[tilespmem:s17], [sflag:$0x8] =	stream.strided.gather [hbm4b:s1+s9], $0x2000, s8, s9, $0x38;
	[tilespmem:$0x18200] =	vst v63  }
.LBB2_2:
0x74: {  	_ =	swait.ge [sflag:s18], $0x2000  }
0x75: {  	[sflag:s18] =	ssyncset.done $0x0  }
0x76: {  	s1 =	sand.u32 $0x1F0, s31;
	[sflag:s18] =	ssyncadd.s32 $0xFFFFE000  }
0x77: {  	v9 =	vld [tilespmem:s1+$0x0];
	_ =	sdelay $0x1  }
0x78: {  	s2 =	sand.u32 $0x8, s31  }
0x79: {  	v10 =	vmov s2  }
0x7a: {  	vm8 =	veq.s32 v10, v0  }
0x7b: {  	v9 =	vnsel vm8, $0x0, v9  }
0x7c: {  	(xrf0) =	vadd.scan.msk.s32 $0xffff, v9;
	_ =	sdelay $0x5  }
0x7d: {  	v9, _, _ =	vpop (xrf0)  }
0x7e: {  	(v2sf) =	vpush v9, $0xF;
	_ =	sdelay $0xe  }
0x7f: {  	s29 =	spop (v2sf)  }
0x80: {  	s2 =	sand.u32 $0x7F, s29  }
0x81: {  	v9 =	vor.u32 s2, v1  }
0x82: {  	v10 =	vmov s31  }
0x83: {  	v11 =	vshll.u32 v10, $0x3  }
0x84: {  	v10 =	vand.u32 $0x78, v10;
	v11 =	vand.u32 $0xC00, v11  }
0x85: {  	v10 =	vor.u32 v10, v11  }
0x86: {  	v11 =	vor.u32 v2, v10;
	v9 =	vld.idx.msk [tilespmem:v9+s10+$0x0], $0xffff  }
0x87: {  	v12 =	vor.u32 s2, v6;
	_ =	sdelay $0x3  }
0x88: {  	[tilespmem:v11+s19+$0x0] =	vst.idx.msk $0xffff, v9  }
0x89: {  	v11 =	vor.u32 v3, v10;
	v9 =	vld.idx.msk [tilespmem:v12+s10+$0x0], $0xffff  }
0x8a: {  	v24 =	vor.u32 s2, v7;
	_ =	sdelay $0x3  }
0x8b: {  	[tilespmem:v11+s19+$0x0] =	vst.idx.msk $0xffff, v9  }
0x8c: {  	v11 =	vor.u32 v4, v10;
	v9 =	vld.idx.msk [tilespmem:v24+s10+$0x0], $0xffff  }
0x8d: {  	v25 =	vor.u32 s2, v8;
	_ =	sdelay $0x3  }
0x8e: {  	[tilespmem:v11+s19+$0x0] =	vst.idx.msk $0xffff, v9  }
0x8f: {  	v10 =	vor.u32 v5, v10;
	v9 =	vld.idx.msk [tilespmem:v25+s10+$0x0], $0xffff;
	_ =	sdelay $0x2  }
0x90: {  	p0 =	seq.s32 s31, $0x1F8  }
0x91: {  	s2 =	sadd.s32 @!p0 $0x8, s31  }
0x92: {  	s3 =	sand.u32 @!p0 $0x3F0, s2;
	[tilespmem:v10+s19+$0x0] =	vst.idx.msk $0xffff, v9  }
0x93: {  	v10 =	vld @!p0 [tilespmem:s3+$0x0];
	_ =	sdelay $0x1  }
0x94: {  	s2 =	sand.u32 @!p0 $0x8, s2  }
0x95: {  	v11 =	vmov @!p0 s2;
	v9 =	vlaneseq.u32 @!p0  }
0x96: {  	vm8 =	veq.s32 @!p0 v11, v9  }
0x97: {  	v10 =	vnsel @!p0 vm8, $0x0, v10  }
0x98: {  	(xrf0) =	vadd.scan.msk.s32 @!p0 $0xffff, v10;
	_ =	sdelay $0x5  }
0x99: {  	v10, _, _ =	vpop @!p0 (xrf0)  }
0x9a: {  	(v2sf) =	vpush @!p0 v10, $0xF;
	_ =	sdelay $0xe  }
0x9b: {  	s2 =	spop @!p0 (v2sf)  }
0x9c: {  	s29 =	simm.s32 @!p0 $0x200;
	s2 =	sand.u32 @!p0 $0xFFFFF80, s2  }
0x9d: {  	s3 =	simm.s32 @!p0 $0x7A1400;
	s28 =	sadd.s32 @!p0 s0, s2;
	s2 =	simm.s32 @!p0 $0x400  }
0x9e: {  	[tilespmem:s29], [sflag:$0x1] =	stream.strided.gather @!p0 [hbm4b:s28+s2], $0x2000, s3, s2, $0x38;
	[tilespmem:$0x18200] =	vst v63  }
0x9f: {  	_ =	swait.ge [sflag:s20], $0x2000  }
0xa0: {  	[sflag:s20] =	ssyncset.done $0x0  }
0xa1: {  	[sflag:s20] =	ssyncadd.s32 $0xFFFFE000  }
0xa2: {  	v10 =	vld [tilespmem:s1+$0x0]  }
0xa3: {  	s28 =	sadd.s32 $0x1, s31  }
0xa4: {  	s29 =	sand.u32 $0x9, s28  }
0xa5: {  	v11 =	vmov s29  }
0xa6: {  	vm8 =	veq.s32 v11, v0  }
0xa7: {  	v10 =	vnsel vm8, $0x0, v10  }
0xa8: {  	(xrf0) =	vadd.scan.msk.s32 $0xffff, v10;
	_ =	sdelay $0x5  }
0xa9: {  	v10, _, _ =	vpop (xrf0)  }
0xaa: {  	(v2sf) =	vpush v10, $0xF;
	_ =	sdelay $0xe  }
0xab: {  	s29 =	spop (v2sf)  }
0xac: {  	s29 =	sand.u32 $0x7F, s29  }
0xad: {  	v10 =	vor.u32 s29, v1  }
0xae: {  	v11 =	vmov s28  }
0xaf: {  	v26 =	vshll.u32 v11, $0x3  }
0xb0: {  	v11 =	vand.u32 $0x79, v11;
	v12 =	vand.u32 $0xC00, v26  }
0xb1: {  	v11 =	vor.u32 v11, v12  }
0xb2: {  	v12 =	vor.u32 v2, v11;
	v10 =	vld.idx.msk [tilespmem:v10+s11+$0x0], $0xffff  }
0xb3: {  	v13 =	vor.u32 s29, v6;
	_ =	sdelay $0x3  }
0xb4: {  	[tilespmem:v12+s19+$0x0] =	vst.idx.msk $0xffff, v10  }
0xb5: {  	v27 =	vor.u32 v3, v11;
	v10 =	vld.idx.msk [tilespmem:v13+s11+$0x0], $0xffff  }
0xb6: {  	v28 =	vor.u32 s29, v7;
	_ =	sdelay $0x3  }
0xb7: {  	[tilespmem:v27+s19+$0x0] =	vst.idx.msk $0xffff, v10  }
0xb8: {  	v29 =	vor.u32 v4, v11;
	v10 =	vld.idx.msk [tilespmem:v28+s11+$0x0], $0xffff  }
0xb9: {  	v30 =	vor.u32 s29, v8;
	_ =	sdelay $0x3  }
0xba: {  	[tilespmem:v29+s19+$0x0] =	vst.idx.msk $0xffff, v10  }
0xbb: {  	v11 =	vor.u32 v5, v11;
	v10 =	vld.idx.msk [tilespmem:v30+s11+$0x0], $0xffff;
	_ =	sdelay $0x3  }
0xbc: {  	s28 =	sadd.s32 @!p0 $0x9, s31  }
0xbd: {  	s29 =	sand.u32 @!p0 $0x3F0, s28;
	[tilespmem:v11+s19+$0x0] =	vst.idx.msk $0xffff, v10  }
0xbe: {  	v10 =	vld @!p0 [tilespmem:s29+$0x0];
	_ =	sdelay $0x1  }
0xbf: {  	s28 =	sand.u32 @!p0 $0x9, s28  }
0xc0: {  	v11 =	vmov @!p0 s28  }
0xc1: {  	vm8 =	veq.s32 @!p0 v11, v9  }
0xc2: {  	v10 =	vnsel @!p0 vm8, $0x0, v10  }
0xc3: {  	(xrf0) =	vadd.scan.msk.s32 @!p0 $0xffff, v10;
	_ =	sdelay $0x5  }
0xc4: {  	v10, _, _ =	vpop @!p0 (xrf0)  }
0xc5: {  	(v2sf) =	vpush @!p0 v10, $0xF;
	_ =	sdelay $0xe  }
0xc6: {  	s28 =	spop @!p0 (v2sf)  }
0xc7: {  	s28 =	sand.u32 @!p0 $0xFFFFF80, s28  }
0xc8: {  	s29 =	simm.s32 @!p0 $0x2200;
	s28 =	sadd.s32 @!p0 s0, s28  }
0xc9: {  	[tilespmem:s29], [sflag:$0x2] =	stream.strided.gather @!p0 [hbm4b:s28+s2], $0x2000, s3, s2, $0x38;
	[tilespmem:$0x18200] =	vst v63  }
0xca: {  	_ =	swait.ge [sflag:s21], $0x2000  }
0xcb: {  	[sflag:s21] =	ssyncset.done $0x0  }
0xcc: {  	[sflag:s21] =	ssyncadd.s32 $0xFFFFE000  }
0xcd: {  	v10 =	vld [tilespmem:s1+$0x0]  }
0xce: {  	s28 =	sadd.s32 $0x2, s31  }
0xcf: {  	s29 =	sand.u32 $0xA, s28  }
0xd0: {  	v11 =	vmov s29  }
0xd1: {  	vm8 =	veq.s32 v11, v0  }
0xd2: {  	v10 =	vnsel vm8, $0x0, v10  }
0xd3: {  	(xrf0) =	vadd.scan.msk.s32 $0xffff, v10;
	_ =	sdelay $0x5  }
0xd4: {  	v10, _, _ =	vpop (xrf0)  }
0xd5: {  	(v2sf) =	vpush v10, $0xF;
	_ =	sdelay $0xe  }
0xd6: {  	s29 =	spop (v2sf)  }
0xd7: {  	s29 =	sand.u32 $0x7F, s29  }
0xd8: {  	v10 =	vor.u32 s29, v1  }
0xd9: {  	v11 =	vmov s28  }
0xda: {  	v31 =	vshll.u32 v11, $0x3  }
0xdb: {  	v11 =	vand.u32 $0x7A, v11;
	v12 =	vand.u32 $0xC00, v31  }
0xdc: {  	v11 =	vor.u32 v11, v12  }
0xdd: {  	v12 =	vor.u32 v2, v11;
	v10 =	vld.idx.msk [tilespmem:v10+s12+$0x0], $0xffff  }
0xde: {  	v32 =	vor.u32 s29, v6;
	_ =	sdelay $0x3  }
0xdf: {  	[tilespmem:v12+s19+$0x0] =	vst.idx.msk $0xffff, v10  }
0xe0: {  	v33 =	vor.u32 v3, v11;
	v10 =	vld.idx.msk [tilespmem:v32+s12+$0x0], $0xffff  }
0xe1: {  	v34 =	vor.u32 s29, v7;
	_ =	sdelay $0x3  }
0xe2: {  	[tilespmem:v33+s19+$0x0] =	vst.idx.msk $0xffff, v10  }
0xe3: {  	v35 =	vor.u32 v4, v11;
	v10 =	vld.idx.msk [tilespmem:v34+s12+$0x0], $0xffff  }
0xe4: {  	v36 =	vor.u32 s29, v8;
	_ =	sdelay $0x3  }
0xe5: {  	[tilespmem:v35+s19+$0x0] =	vst.idx.msk $0xffff, v10  }
0xe6: {  	v11 =	vor.u32 v5, v11;
	v10 =	vld.idx.msk [tilespmem:v36+s12+$0x0], $0xffff;
	_ =	sdelay $0x3  }
0xe7: {  	s28 =	sadd.s32 @!p0 $0xA, s31  }
0xe8: {  	s29 =	sand.u32 @!p0 $0x3F0, s28;
	[tilespmem:v11+s19+$0x0] =	vst.idx.msk $0xffff, v10  }
0xe9: {  	v10 =	vld @!p0 [tilespmem:s29+$0x0];
	_ =	sdelay $0x1  }
0xea: {  	s28 =	sand.u32 @!p0 $0xA, s28  }
0xeb: {  	v11 =	vmov @!p0 s28  }
0xec: {  	vm8 =	veq.s32 @!p0 v11, v9  }
0xed: {  	v10 =	vnsel @!p0 vm8, $0x0, v10  }
0xee: {  	(xrf0) =	vadd.scan.msk.s32 @!p0 $0xffff, v10;
	_ =	sdelay $0x5  }
0xef: {  	v10, _, _ =	vpop @!p0 (xrf0)  }
0xf0: {  	(v2sf) =	vpush @!p0 v10, $0xF;
	_ =	sdelay $0xe  }
0xf1: {  	s28 =	spop @!p0 (v2sf)  }
0xf2: {  	s28 =	sand.u32 @!p0 $0xFFFFF80, s28  }
0xf3: {  	s29 =	simm.s32 @!p0 $0x4200;
	s28 =	sadd.s32 @!p0 s0, s28  }
0xf4: {  	[tilespmem:s29], [sflag:$0x3] =	stream.strided.gather @!p0 [hbm4b:s28+s2], $0x2000, s3, s2, $0x38;
	[tilespmem:$0x18200] =	vst v63  }
0xf5: {  	_ =	swait.ge [sflag:s22], $0x2000  }
0xf6: {  	[sflag:s22] =	ssyncset.done $0x0  }
0xf7: {  	[sflag:s22] =	ssyncadd.s32 $0xFFFFE000  }
0xf8: {  	v10 =	vld [tilespmem:s1+$0x0]  }
0xf9: {  	s28 =	sadd.s32 $0x3, s31  }
0xfa: {  	s29 =	sand.u32 $0xB, s28  }
0xfb: {  	v11 =	vmov s29  }
0xfc: {  	vm8 =	veq.s32 v11, v0  }
0xfd: {  	v10 =	vnsel vm8, $0x0, v10  }
0xfe: {  	(xrf0) =	vadd.scan.msk.s32 $0xffff, v10;
	_ =	sdelay $0x5  }
0xff: {  	v10, _, _ =	vpop (xrf0)  }
0x100: {  	(v2sf) =	vpush v10, $0xF;
	_ =	sdelay $0xe  }
0x101: {  	s29 =	spop (v2sf)  }
0x102: {  	s29 =	sand.u32 $0x7F, s29  }
0x103: {  	v10 =	vor.u32 s29, v1  }
0x104: {  	v11 =	vmov s28  }
0x105: {  	v37 =	vshll.u32 v11, $0x3  }
0x106: {  	v11 =	vand.u32 $0x7B, v11;
	v12 =	vand.u32 $0xC00, v37  }
0x107: {  	v11 =	vor.u32 v11, v12  }
0x108: {  	v12 =	vor.u32 v2, v11;
	v10 =	vld.idx.msk [tilespmem:v10+s13+$0x0], $0xffff  }
0x109: {  	v38 =	vor.u32 s29, v6;
	_ =	sdelay $0x3  }
0x10a: {  	[tilespmem:v12+s19+$0x0] =	vst.idx.msk $0xffff, v10  }
0x10b: {  	v39 =	vor.u32 v3, v11;
	v10 =	vld.idx.msk [tilespmem:v38+s13+$0x0], $0xffff  }
0x10c: {  	v40 =	vor.u32 s29, v7;
	_ =	sdelay $0x3  }
0x10d: {  	[tilespmem:v39+s19+$0x0] =	vst.idx.msk $0xffff, v10  }
0x10e: {  	v41 =	vor.u32 v4, v11;
	v10 =	vld.idx.msk [tilespmem:v40+s13+$0x0], $0xffff  }
0x10f: {  	v42 =	vor.u32 s29, v8;
	_ =	sdelay $0x3  }
0x110: {  	[tilespmem:v41+s19+$0x0] =	vst.idx.msk $0xffff, v10  }
0x111: {  	v11 =	vor.u32 v5, v11;
	v10 =	vld.idx.msk [tilespmem:v42+s13+$0x0], $0xffff;
	_ =	sdelay $0x3  }
0x112: {  	s28 =	sadd.s32 @!p0 $0xB, s31  }
0x113: {  	s29 =	sand.u32 @!p0 $0x3F0, s28;
	[tilespmem:v11+s19+$0x0] =	vst.idx.msk $0xffff, v10  }
0x114: {  	v10 =	vld @!p0 [tilespmem:s29+$0x0];
	_ =	sdelay $0x1  }
0x115: {  	s28 =	sand.u32 @!p0 $0xB, s28  }
0x116: {  	v11 =	vmov @!p0 s28  }
0x117: {  	vm8 =	veq.s32 @!p0 v11, v9  }
0x118: {  	v10 =	vnsel @!p0 vm8, $0x0, v10  }
0x119: {  	(xrf0) =	vadd.scan.msk.s32 @!p0 $0xffff, v10;
	_ =	sdelay $0x5  }
0x11a: {  	v10, _, _ =	vpop @!p0 (xrf0)  }
0x11b: {  	(v2sf) =	vpush @!p0 v10, $0xF;
	_ =	sdelay $0xe  }
0x11c: {  	s28 =	spop @!p0 (v2sf)  }
0x11d: {  	s28 =	sand.u32 @!p0 $0xFFFFF80, s28  }
0x11e: {  	s29 =	simm.s32 @!p0 $0x6200;
	s28 =	sadd.s32 @!p0 s0, s28  }
0x11f: {  	[tilespmem:s29], [sflag:$0x4] =	stream.strided.gather @!p0 [hbm4b:s28+s2], $0x2000, s3, s2, $0x38;
	[tilespmem:$0x18200] =	vst v63  }
0x120: {  	_ =	swait.ge [sflag:s23], $0x2000  }
0x121: {  	[sflag:s23] =	ssyncset.done $0x0  }
0x122: {  	[sflag:s23] =	ssyncadd.s32 $0xFFFFE000  }
0x123: {  	v10 =	vld [tilespmem:s1+$0x0]  }
0x124: {  	s28 =	sadd.s32 $0x4, s31  }
0x125: {  	s29 =	sand.u32 $0xC, s28  }
0x126: {  	v11 =	vmov s29  }
0x127: {  	vm8 =	veq.s32 v11, v0  }
0x128: {  	v10 =	vnsel vm8, $0x0, v10  }
0x129: {  	(xrf0) =	vadd.scan.msk.s32 $0xffff, v10;
	_ =	sdelay $0x5  }
0x12a: {  	v10, _, _ =	vpop (xrf0)  }
0x12b: {  	(v2sf) =	vpush v10, $0xF;
	_ =	sdelay $0xe  }
0x12c: {  	s29 =	spop (v2sf)  }
0x12d: {  	s29 =	sand.u32 $0x7F, s29  }
0x12e: {  	v10 =	vor.u32 s29, v1  }
0x12f: {  	v11 =	vmov s28  }
0x130: {  	v43 =	vshll.u32 v11, $0x3  }
0x131: {  	v11 =	vand.u32 $0x7C, v11;
	v12 =	vand.u32 $0xC00, v43  }
0x132: {  	v11 =	vor.u32 v11, v12  }
0x133: {  	v12 =	vor.u32 v2, v11;
	v10 =	vld.idx.msk [tilespmem:v10+s14+$0x0], $0xffff  }
0x134: {  	v44 =	vor.u32 s29, v6;
	_ =	sdelay $0x3  }
0x135: {  	[tilespmem:v12+s19+$0x0] =	vst.idx.msk $0xffff, v10  }
0x136: {  	v45 =	vor.u32 v3, v11;
	v10 =	vld.idx.msk [tilespmem:v44+s14+$0x0], $0xffff  }
0x137: {  	v46 =	vor.u32 s29, v7;
	_ =	sdelay $0x3  }
0x138: {  	[tilespmem:v45+s19+$0x0] =	vst.idx.msk $0xffff, v10  }
0x139: {  	v47 =	vor.u32 v4, v11;
	v10 =	vld.idx.msk [tilespmem:v46+s14+$0x0], $0xffff  }
0x13a: {  	v48 =	vor.u32 s29, v8;
	_ =	sdelay $0x3  }
0x13b: {  	[tilespmem:v47+s19+$0x0] =	vst.idx.msk $0xffff, v10  }
0x13c: {  	v11 =	vor.u32 v5, v11;
	v10 =	vld.idx.msk [tilespmem:v48+s14+$0x0], $0xffff;
	_ =	sdelay $0x3  }
0x13d: {  	s28 =	sadd.s32 @!p0 $0xC, s31  }
0x13e: {  	s29 =	sand.u32 @!p0 $0x3F0, s28;
	[tilespmem:v11+s19+$0x0] =	vst.idx.msk $0xffff, v10  }
0x13f: {  	v10 =	vld @!p0 [tilespmem:s29+$0x0];
	_ =	sdelay $0x1  }
0x140: {  	s28 =	sand.u32 @!p0 $0xC, s28  }
0x141: {  	v11 =	vmov @!p0 s28  }
0x142: {  	vm8 =	veq.s32 @!p0 v11, v9  }
0x143: {  	v10 =	vnsel @!p0 vm8, $0x0, v10  }
0x144: {  	(xrf0) =	vadd.scan.msk.s32 @!p0 $0xffff, v10;
	_ =	sdelay $0x5  }
0x145: {  	v10, _, _ =	vpop @!p0 (xrf0)  }
0x146: {  	(v2sf) =	vpush @!p0 v10, $0xF;
	_ =	sdelay $0xe  }
0x147: {  	s28 =	spop @!p0 (v2sf)  }
0x148: {  	s28 =	sand.u32 @!p0 $0xFFFFF80, s28  }
0x149: {  	s29 =	simm.s32 @!p0 $0x8200;
	s28 =	sadd.s32 @!p0 s0, s28  }
0x14a: {  	[tilespmem:s29], [sflag:$0x5] =	stream.strided.gather @!p0 [hbm4b:s28+s2], $0x2000, s3, s2, $0x38;
	[tilespmem:$0x18200] =	vst v63  }
0x14b: {  	_ =	swait.ge [sflag:s24], $0x2000  }
0x14c: {  	[sflag:s24] =	ssyncset.done $0x0  }
0x14d: {  	[sflag:s24] =	ssyncadd.s32 $0xFFFFE000  }
0x14e: {  	v10 =	vld [tilespmem:s1+$0x0]  }
0x14f: {  	s28 =	sadd.s32 $0x5, s31  }
0x150: {  	s29 =	sand.u32 $0xD, s28  }
0x151: {  	v11 =	vmov s29  }
0x152: {  	vm8 =	veq.s32 v11, v0  }
0x153: {  	v10 =	vnsel vm8, $0x0, v10  }
0x154: {  	(xrf0) =	vadd.scan.msk.s32 $0xffff, v10;
	_ =	sdelay $0x5  }
0x155: {  	v10, _, _ =	vpop (xrf0)  }
0x156: {  	(v2sf) =	vpush v10, $0xF;
	_ =	sdelay $0xe  }
0x157: {  	s29 =	spop (v2sf)  }
0x158: {  	s29 =	sand.u32 $0x7F, s29  }
0x159: {  	v10 =	vor.u32 s29, v1  }
0x15a: {  	v11 =	vmov s28  }
0x15b: {  	v49 =	vshll.u32 v11, $0x3  }
0x15c: {  	v11 =	vand.u32 $0x7D, v11;
	v12 =	vand.u32 $0xC00, v49  }
0x15d: {  	v11 =	vor.u32 v11, v12  }
0x15e: {  	v12 =	vor.u32 v2, v11;
	v10 =	vld.idx.msk [tilespmem:v10+s15+$0x0], $0xffff  }
0x15f: {  	v50 =	vor.u32 s29, v6;
	_ =	sdelay $0x3  }
0x160: {  	[tilespmem:v12+s19+$0x0] =	vst.idx.msk $0xffff, v10  }
0x161: {  	v51 =	vor.u32 v3, v11;
	v10 =	vld.idx.msk [tilespmem:v50+s15+$0x0], $0xffff  }
0x162: {  	v52 =	vor.u32 s29, v7;
	_ =	sdelay $0x3  }
0x163: {  	[tilespmem:v51+s19+$0x0] =	vst.idx.msk $0xffff, v10  }
0x164: {  	v53 =	vor.u32 v4, v11;
	v10 =	vld.idx.msk [tilespmem:v52+s15+$0x0], $0xffff  }
0x165: {  	v54 =	vor.u32 s29, v8;
	_ =	sdelay $0x3  }
0x166: {  	[tilespmem:v53+s19+$0x0] =	vst.idx.msk $0xffff, v10  }
0x167: {  	v11 =	vor.u32 v5, v11;
	v10 =	vld.idx.msk [tilespmem:v54+s15+$0x0], $0xffff;
	_ =	sdelay $0x3  }
0x168: {  	s28 =	sadd.s32 @!p0 $0xD, s31  }
0x169: {  	s29 =	sand.u32 @!p0 $0x3F0, s28;
	[tilespmem:v11+s19+$0x0] =	vst.idx.msk $0xffff, v10  }
0x16a: {  	v10 =	vld @!p0 [tilespmem:s29+$0x0];
	_ =	sdelay $0x1  }
0x16b: {  	s28 =	sand.u32 @!p0 $0xD, s28  }
0x16c: {  	v11 =	vmov @!p0 s28  }
0x16d: {  	vm8 =	veq.s32 @!p0 v11, v9  }
0x16e: {  	v10 =	vnsel @!p0 vm8, $0x0, v10  }
0x16f: {  	(xrf0) =	vadd.scan.msk.s32 @!p0 $0xffff, v10;
	_ =	sdelay $0x5  }
0x170: {  	v10, _, _ =	vpop @!p0 (xrf0)  }
0x171: {  	(v2sf) =	vpush @!p0 v10, $0xF;
	_ =	sdelay $0xe  }
0x172: {  	s28 =	spop @!p0 (v2sf)  }
0x173: {  	s28 =	sand.u32 @!p0 $0xFFFFF80, s28  }
0x174: {  	s29 =	simm.s32 @!p0 $0xA200;
	s28 =	sadd.s32 @!p0 s0, s28  }
0x175: {  	[tilespmem:s29], [sflag:$0x6] =	stream.strided.gather @!p0 [hbm4b:s28+s2], $0x2000, s3, s2, $0x38;
	[tilespmem:$0x18200] =	vst v63  }
0x176: {  	_ =	swait.ge [sflag:s25], $0x2000  }
0x177: {  	[sflag:s25] =	ssyncset.done $0x0  }
0x178: {  	[sflag:s25] =	ssyncadd.s32 $0xFFFFE000  }
0x179: {  	v10 =	vld [tilespmem:s1+$0x0]  }
0x17a: {  	s28 =	sadd.s32 $0x6, s31  }
0x17b: {  	s29 =	sand.u32 $0xE, s28  }
0x17c: {  	v11 =	vmov s29  }
0x17d: {  	vm8 =	veq.s32 v11, v0  }
0x17e: {  	v10 =	vnsel vm8, $0x0, v10  }
0x17f: {  	(xrf0) =	vadd.scan.msk.s32 $0xffff, v10;
	_ =	sdelay $0x5  }
0x180: {  	v10, _, _ =	vpop (xrf0)  }
0x181: {  	(v2sf) =	vpush v10, $0xF;
	_ =	sdelay $0xe  }
0x182: {  	s29 =	spop (v2sf)  }
0x183: {  	s29 =	sand.u32 $0x7F, s29  }
0x184: {  	v10 =	vor.u32 s29, v1  }
0x185: {  	v11 =	vmov s28  }
0x186: {  	v55 =	vshll.u32 v11, $0x3  }
0x187: {  	v11 =	vand.u32 $0x7E, v11;
	v12 =	vand.u32 $0xC00, v55  }
0x188: {  	v11 =	vor.u32 v11, v12  }
0x189: {  	v12 =	vor.u32 v2, v11;
	v10 =	vld.idx.msk [tilespmem:v10+s16+$0x0], $0xffff  }
0x18a: {  	v56 =	vor.u32 s29, v6;
	_ =	sdelay $0x3  }
0x18b: {  	[tilespmem:v12+s19+$0x0] =	vst.idx.msk $0xffff, v10  }
0x18c: {  	v57 =	vor.u32 v3, v11;
	v10 =	vld.idx.msk [tilespmem:v56+s16+$0x0], $0xffff  }
0x18d: {  	v58 =	vor.u32 s29, v7;
	_ =	sdelay $0x3  }
0x18e: {  	[tilespmem:v57+s19+$0x0] =	vst.idx.msk $0xffff, v10  }
0x18f: {  	v59 =	vor.u32 v4, v11;
	v10 =	vld.idx.msk [tilespmem:v58+s16+$0x0], $0xffff  }
0x190: {  	v60 =	vor.u32 s29, v8;
	_ =	sdelay $0x3  }
0x191: {  	[tilespmem:v59+s19+$0x0] =	vst.idx.msk $0xffff, v10  }
0x192: {  	v11 =	vor.u32 v5, v11;
	v10 =	vld.idx.msk [tilespmem:v60+s16+$0x0], $0xffff;
	_ =	sdelay $0x3  }
0x193: {  	s28 =	sadd.s32 @!p0 $0xE, s31  }
0x194: {  	s29 =	sand.u32 @!p0 $0x3F0, s28;
	[tilespmem:v11+s19+$0x0] =	vst.idx.msk $0xffff, v10  }
0x195: {  	v10 =	vld @!p0 [tilespmem:s29+$0x0];
	_ =	sdelay $0x1  }
0x196: {  	s28 =	sand.u32 @!p0 $0xE, s28  }
0x197: {  	v11 =	vmov @!p0 s28  }
0x198: {  	vm8 =	veq.s32 @!p0 v11, v9  }
0x199: {  	v9 =	vnsel @!p0 vm8, $0x0, v10  }
0x19a: {  	(xrf0) =	vadd.scan.msk.s32 @!p0 $0xffff, v9;
	_ =	sdelay $0x5  }
0x19b: {  	v9, _, _ =	vpop @!p0 (xrf0)  }
0x19c: {  	(v2sf) =	vpush @!p0 v9, $0xF;
	_ =	sdelay $0xe  }
0x19d: {  	s28 =	spop @!p0 (v2sf)  }
0x19e: {  	s28 =	sand.u32 @!p0 $0xFFFFF80, s28  }
0x19f: {  	s29 =	simm.s32 @!p0 $0xC200;
	s28 =	sadd.s32 @!p0 s0, s28  }
0x1a0: {  	[tilespmem:s29], [sflag:$0x7] =	stream.strided.gather @!p0 [hbm4b:s28+s2], $0x2000, s3, s2, $0x38;
	[tilespmem:$0x18200] =	vst v63  }
0x1a1: {  	_ =	swait.ge [sflag:s26], $0x2000  }
0x1a2: {  	[sflag:s26] =	ssyncset.done $0x0  }
0x1a3: {  	[sflag:s26] =	ssyncadd.s32 $0xFFFFE000  }
0x1a4: {  	v9 =	vld [tilespmem:s1+$0x0]  }
0x1a5: {  	s3 =	sadd.s32 $0x7, s31  }
0x1a6: {  	s28 =	sand.u32 $0xF, s3  }
0x1a7: {  	v10 =	vmov s28  }
0x1a8: {  	vm8 =	veq.s32 v10, v0  }
0x1a9: {  	v9 =	vnsel vm8, $0x0, v9  }
0x1aa: {  	(xrf0) =	vadd.scan.msk.s32 $0xffff, v9;
	_ =	sdelay $0x5  }
0x1ab: {  	v9, _, _ =	vpop (xrf0)  }
0x1ac: {  	(v2sf) =	vpush v9, $0xF;
	_ =	sdelay $0xe  }
0x1ad: {  	s29 =	spop (v2sf)  }
0x1ae: {  	s2 =	sand.u32 $0x7F, s29  }
0x1af: {  	v9 =	vor.u32 s2, v1  }
0x1b0: {  	v10 =	vmov s3  }
0x1b1: {  	v11 =	vshll.u32 v10, $0x3  }
0x1b2: {  	v10 =	vand.u32 $0x7F, v10;
	v11 =	vand.u32 $0xC00, v11  }
0x1b3: {  	v10 =	vor.u32 v10, v11  }
0x1b4: {  	v11 =	vor.u32 v2, v10;
	v9 =	vld.idx.msk [tilespmem:v9+s17+$0x0], $0xffff  }
0x1b5: {  	v61 =	vor.u32 s2, v6;
	_ =	sdelay $0x3  }
0x1b6: {  	[tilespmem:v11+s19+$0x0] =	vst.idx.msk $0xffff, v9  }
0x1b7: {  	v11 =	vor.u32 v3, v10;
	v9 =	vld.idx.msk [tilespmem:v61+s17+$0x0], $0xffff  }
0x1b8: {  	v62 =	vor.u32 s2, v7;
	_ =	sdelay $0x3  }
0x1b9: {  	[tilespmem:v11+s19+$0x0] =	vst.idx.msk $0xffff, v9  }
0x1ba: {  	v11 =	vor.u32 v4, v10;
	v9 =	vld.idx.msk [tilespmem:v62+s17+$0x0], $0xffff  }
0x1bb: {  	v63 =	vor.u32 s2, v8;
	_ =	sdelay $0x3  }
0x1bc: {  	[tilespmem:v11+s19+$0x0] =	vst.idx.msk $0xffff, v9  }
0x1bd: {  	v10 =	vor.u32 v5, v10;
	v9 =	vld.idx.msk [tilespmem:v63+s17+$0x0], $0xffff  }
.Ltmp2:
0x1be: {  	_ = 	snop;
	(pc) =	sbr.rel @p0 .LBB2_4-.Ltmp2, $2  }
0x1bf: {  	_ =	sdelay $0x2  }
0x1c0: {  	[tilespmem:v10+s19+$0x0] =	vst.idx.msk $0xffff, v9  }
0x1c1: {  	s1 =	sadd.s32 $0xF, s31  }
0x1c2: {  	s2 =	sand.u32 $0x3F0, s1  }
0x1c3: {  	v9 =	vld [tilespmem:s2+$0x0];
	_ =	sdelay $0x1  }
0x1c4: {  	s1 =	sand.u32 $0xF, s1  }
0x1c5: {  	v10 =	vmov s1  }
0x1c6: {  	vm8 =	veq.s32 v10, v0  }
0x1c7: {  	v9 =	vnsel vm8, $0x0, v9  }
0x1c8: {  	(xrf0) =	vadd.scan.msk.s32 $0xffff, v9;
	_ =	sdelay $0x5  }
0x1c9: {  	v9, _, _ =	vpop (xrf0)  }
0x1ca: {  	(v2sf) =	vpush v9, $0xF;
	_ =	sdelay $0xd  }
.Ltmp3:
0x1cb: {  	_ = 	snop;
	(pc) =	sbr.rel .LBB2_2-.Ltmp3, $4  }
0x1cc: {  	s29 =	spop (v2sf)  }
0x1cd: {  	s1 =	sand.u32 $0xFFFFF80, s29  }
0x1ce: {  	s31 =	sadd.s32 $0x8, s31;
	s1 =	sadd.s32 s0, s1  }
0x1cf: {  	[tilespmem:s17], [sflag:$0x8] =	stream.strided.gather [hbm4b:s1+s9], $0x2000, s8, s9, $0x38;
	[tilespmem:$0x18200] =	vst v63  }
.LBB2_5:
0x1d0: {  	_ =	sfence.sel $0x180000  }
0x1d1: {  	[bflag:$0x0] =	sbarrier.arrive $0xFFFF  }
0x1d2: {  	_ =	strace $0x90000047  }
0x1d3: {  	s0 =	stileid.u32;
	[bflag:$0x2] =	sbarrier.arrive $0xFFFF  }
0x1d4: {  	p0 =	sne.s32 s0, $0x0;
	s0 =	rddreg [dreg:$0x3]  }
0x1d5: {  	s0 =	sadd.s32 @!p0 $0x100000, s0  }
0x1d6: {  	[sflag:s0] =	ssyncadd.tile.s32 @!p0 $0x1;
	_ =	shalt  }
.Lfunc_end2:
_tile_overlayer_lowered:
.L_overlay_start_2:
0x1d7: {  	(tag) =	ssettag $0x2  }
0x1d8: {  	s0 =	rddreg [dreg:$0x0];
	s2 =	stileid.u32  }
0x1d9: {  	s1 =	rddreg [dreg:$0x1];
	p0 =	sne.s32 s2, $0x0  }
0x1da: {  	s3 =	rddreg [dreg:$0x2];
	[bflag:$0x3] =	sbarrier.arrive $0xFFFF;
	s2 =	simm.s32 @!p0 $0x1C09  }
0x1db: {  	[timem:s3], [sflag:s2] =	dma.local @!p0 [hbm:s0], s1  }
0x1dc: {  	s0 =	simm.s32 @!p0 $0x9  }
0x1dd: {  	_ =	swait.ge @!p0 [sflag:s0], s1  }
0x1de: {  	s1 =	ssub.s32 @!p0 $0x0, s1;
	[sflag:s0] =	ssyncset.done @!p0 $0x0  }
0x1df: {  	[sflag:s0] =	ssyncadd.s32 @!p0 s1  }
0x1e0: {  	[bflag:$0x3] =	sbarrier.arrive $0xFFFF  }
0x1e1: {  	_ =	shalt  }

</sc_bundles>
